<compile_context>
chip_gen: v7x
topology: tpu7x:2x2x1
jax: 0.10.2.dev20260603
libtpu: 0.0.44.dev20260713+nightly
codegen_flags: <defaults>
</compile_context>

<pallas_src>
import jax
import jax.numpy as jnp
from jax import lax
from jax.experimental import pallas as pl
from jax.experimental.pallas import tpu as pltpu
from jax.experimental.pallas import tpu_sc as plsc

KMER_SIZE = 4
BATCH = 1024
SEQ_LEN = 512
EMBED_DIM = 64

NUM_CORES = 2
NUM_SUBCORES = 16
NUM_WORKERS = NUM_CORES * NUM_SUBCORES
SEQS_PER_WORKER = BATCH // NUM_WORKERS
PER_WORKER = SEQS_PER_WORKER * SEQ_LEN
CHUNK = SEQ_LEN
N_CHUNKS = PER_WORKER // CHUNK


def _sc_body(idx_hbm, table_hbm, out_hbm, idx_v, rows_v,
             g0, g1, g2, s0, s1, s2):
    gsems = (g0, g1, g2)
    ssems = (s0, s1, s2)
    wid = lax.axis_index("s") * NUM_CORES + lax.axis_index("c")
    seq_base = wid * SEQS_PER_WORKER
    pltpu.sync_copy(idx_hbm.at[pl.ds(seq_base, N_CHUNKS)], idx_v)

    def fire_gather(c, slot):
        pltpu.async_copy(table_hbm.at[idx_v.at[c]], rows_v.at[slot], gsems[slot])

    def wait_gather(slot):
        pltpu.make_async_copy(
            table_hbm.at[idx_v.at[0]], rows_v.at[slot], gsems[slot]
        ).wait()

    def fire_scatter(c, slot):
        pltpu.async_copy(rows_v.at[slot], out_hbm.at[seq_base + c], ssems[slot])

    def wait_scatter(slot):
        pltpu.make_async_copy(
            rows_v.at[slot], out_hbm.at[seq_base], ssems[slot]
        ).wait()

    def mask(slot):
        zeros = jnp.zeros((16,), jnp.float32)
        for r in range(KMER_SIZE - 1):
            for l in range(EMBED_DIM // 16):
                rows_v[slot, r, pl.ds(l * 16, 16)] = zeros

    fire_gather(0, 0)
    fire_gather(1, 1)

    wait_gather(0)
    mask(0)
    fire_scatter(0, 0)
    fire_gather(2, 2)

    wait_gather(1)
    mask(1)
    fire_scatter(1, 1)
    wait_scatter(0)
    fire_gather(3, 0)

    def group(g, _):
        for b in range(3):
            c = 3 * g + 2 + b
            slot = (2 + b) % 3
            wait_gather(slot)
            mask(slot)
            fire_scatter(c, slot)

            @pl.when(c + 2 < N_CHUNKS)
            def _():
                wait_scatter((slot + 2) % 3)
                fire_gather(c + 2, (slot + 2) % 3)

        return 0

    lax.fori_loop(0, (N_CHUNKS - 2) // 3, group, 0)

    wait_scatter(2)
    wait_scatter(0)
    wait_scatter(1)


@jax.jit
def _encode(kmer_indices, kmer_table):
    mesh = plsc.VectorSubcoreMesh(
        core_axis_name="c",
        subcore_axis_name="s",
        num_cores=NUM_CORES,
        num_subcores=NUM_SUBCORES,
    )
    run = pl.kernel(
        _sc_body,
        out_type=jax.ShapeDtypeStruct((BATCH, SEQ_LEN, EMBED_DIM), jnp.float32),
        mesh=mesh,
        scratch_types=[
            pltpu.VMEM((N_CHUNKS, CHUNK), jnp.int32),
            pltpu.VMEM((3, CHUNK, EMBED_DIM), jnp.float32),
            pltpu.SemaphoreType.DMA,
            pltpu.SemaphoreType.DMA,
            pltpu.SemaphoreType.DMA,
            pltpu.SemaphoreType.DMA,
            pltpu.SemaphoreType.DMA,
            pltpu.SemaphoreType.DMA,
        ],
        compiler_params=pltpu.CompilerParams(use_tc_tiling_on_sc=False),
    )
    return run(kmer_indices, kmer_table)


def kernel(kmer_indices, kmer_table):
    return _encode(kmer_indices, kmer_table)

# --- scband reference (transcript-rebuilt; emitter-appended) ---
"""Pipeline reference for scband-protein-encoder-15006615733638 (READ-ONLY COPY).

The authoritative reference and input builder live on the scoring server;
editing this copy changes nothing except your own understanding.
"""

import jax, jax.numpy as jnp
import numpy as np

KMER_SIZE = 4
NUM_KMERS = 20 ** KMER_SIZE  # 160000
EMBED_DIM = 64
BATCH = 1024
SEQ_LEN = 512

def setup_inputs(seed: int = 0) -> dict:
    key = jax.random.key(seed)
    k1, k2 = jax.random.split(key)
    kmer_indices = jax.random.randint(k1, (BATCH, SEQ_LEN), 0, NUM_KMERS, dtype=jnp.int32)
    kmer_table = jax.random.normal(k2, (NUM_KMERS, EMBED_DIM), dtype=jnp.float32)
    return {"kmer_indices": kmer_indices, "kmer_table": kmer_table}

def reference(kmer_indices, kmer_table):
    # ProteinEncoder(encoding='kmer') forward: for each position j, look up the
    # embedding of the k-mer ending at j. Positions j < kmer_size-1 have an
    # incomplete k-mer and remain zero (matching the torch loop behavior).
    encoded = jnp.take(kmer_table, kmer_indices, axis=0)  # [B, L, D] gather
    pos = jnp.arange(kmer_indices.shape[1])
    mask = (pos >= KMER_SIZE - 1).astype(encoded.dtype)[None, :, None]
    return encoded * mask

if __name__ == "__main__":
    import jax
    _d = setup_inputs()
    print(jax.jit(kernel)(*tuple(_d.values())))

</pallas_src>

<mosaic_0001>
#map = affine_map<(d0, d1) -> (0, 0)>
#map1 = affine_map<(d0, d1) -> (0, 0, 0)>
module attributes {stable_mosaic.version = 14 : i64} {
  func.func @_sc_body(%arg0: i32, %arg1: i32, %arg2: memref<1024x512xi32, #tpu.memory_space<hbm>>, %arg3: memref<160000x64xf32, #tpu.memory_space<hbm>>, %arg4: memref<1024x512x64xf32, #tpu.memory_space<hbm>>, %arg5: memref<32x512xi32, #tpu.memory_space<vmem>>, %arg6: memref<3x512x64xf32, #tpu.memory_space<vmem>>, %arg7: memref<!tpu.dma_semaphore, #tpu.memory_space<semaphore_mem>>, %arg8: memref<!tpu.dma_semaphore, #tpu.memory_space<semaphore_mem>>, %arg9: memref<!tpu.dma_semaphore, #tpu.memory_space<semaphore_mem>>, %arg10: memref<!tpu.dma_semaphore, #tpu.memory_space<semaphore_mem>>, %arg11: memref<!tpu.dma_semaphore, #tpu.memory_space<semaphore_mem>>, %arg12: memref<!tpu.dma_semaphore, #tpu.memory_space<semaphore_mem>>) attributes {dimension_semantics = [#tpu.dimension_semantics<core_parallel>, #tpu.dimension_semantics<subcore_parallel>], iteration_bounds = array<i64: 2, 16>, scalar_prefetch = 0 : i64, scratch_operands = 8 : i64, tpu.core_type = #tpu.core_type<sc_vector_subcore>, window_params = [{transform_indices = #map}, {transform_indices = #map}, {transform_indices = #map1}]} {
    %mul3A = arith.constant 2 : i32
    %mul3A_0 = arith.muli %arg1, %mul3A : i32
    %add3A = arith.addi %mul3A_0, %arg0 : i32
    %mul3A_1 = arith.constant 32 : i32
    %mul3A_2 = arith.muli %add3A, %mul3A_1 : i32
    "tpu.region"() ({
      %run_scoped3A = tpu.sem_alloc : memref<!tpu.dma_semaphore, #tpu.memory_space<semaphore_mem>>
      %dma_start3A_379 = arith.constant 0 : i32
      %dma_start3A_380 = tpu.memref_slice %arg2[%mul3A_2, %dma_start3A_379] : memref<1024x512xi32, #tpu.memory_space<hbm>> -> memref<32x512xi32, #tpu.memory_space<hbm>>
      %dma_start3A_381 = arith.constant 0 : i32
      %dma_start3A_382 = tpu.memref_slice %arg2[%mul3A_2, %dma_start3A_381] : memref<1024x512xi32, #tpu.memory_space<hbm>> -> memref<32x512xi32, #tpu.memory_space<hbm>>
      tpu.enqueue_dma source(%dma_start3A_382 : memref<32x512xi32, #tpu.memory_space<hbm>>) target(%arg5 : memref<32x512xi32, #tpu.memory_space<vmem>>) target_semaphore(%run_scoped3A : memref<!tpu.dma_semaphore, #tpu.memory_space<semaphore_mem>>)
      %dma_wait3A_383 = arith.constant 0 : i32
      %dma_wait3A_384 = tpu.memref_slice %arg2[%mul3A_2, %dma_wait3A_383] : memref<1024x512xi32, #tpu.memory_space<hbm>> -> memref<32x512xi32, #tpu.memory_space<hbm>>
      %dma_wait3A_385 = arith.constant 0 : i32
      %dma_wait3A_386 = tpu.memref_slice %arg2[%mul3A_2, %dma_wait3A_385] : memref<1024x512xi32, #tpu.memory_space<hbm>> -> memref<32x512xi32, #tpu.memory_space<hbm>>
      tpu.wait_dma2 semaphore(%run_scoped3A : memref<!tpu.dma_semaphore, #tpu.memory_space<semaphore_mem>>) src(%dma_wait3A_386 : memref<32x512xi32, #tpu.memory_space<hbm>>) dst(%arg5 : memref<32x512xi32, #tpu.memory_space<vmem>>)
      tpu.yield
    }) : () -> ()
    %dma_start3A = arith.constant 0 : i32
    %dma_start3A_3 = arith.constant 0 : i32
    %dma_start3A_4 = arith.constant 0 : i32
    %dma_start3A_5 = arith.constant 0 : i32
    %dma_start3A_6 = tpu.memref_slice %arg6[%dma_start3A_3, %dma_start3A_4, %dma_start3A_5] : memref<3x512x64xf32, #tpu.memory_space<vmem>> -> memref<1x512x64xf32, #tpu.memory_space<vmem>>
    %dma_start3A_7 = tpu.memref_squeeze %dma_start3A_6 : memref<1x512x64xf32, #tpu.memory_space<vmem>> -> memref<512x64xf32, #tpu.memory_space<vmem>>
    %dma_start3A_8 = arith.constant 0 : i32
    %dma_start3A_9 = tpu.memref_slice %arg5[%dma_start3A, %dma_start3A_8] : memref<32x512xi32, #tpu.memory_space<vmem>> -> memref<1x512xi32, #tpu.memory_space<vmem>>
    %dma_start3A_10 = tpu.memref_squeeze %dma_start3A_9 : memref<1x512xi32, #tpu.memory_space<vmem>> -> memref<512xi32, #tpu.memory_space<vmem>>
    %dma_start3A_11 = arith.constant 0 : i32
    %dma_start3A_12 = arith.constant 0 : i32
    %dma_start3A_13 = tpu.memref_slice %arg3[%dma_start3A_11, %dma_start3A_12] : memref<160000x64xf32, #tpu.memory_space<hbm>> -> memref<160000x64xf32, #tpu.memory_space<hbm>>
    tpu.enqueue_indirect_dma source(%dma_start3A_13 : memref<160000x64xf32, #tpu.memory_space<hbm>>) target(%dma_start3A_7 : memref<512x64xf32, #tpu.memory_space<vmem>>) offsets(%dma_start3A_10 : memref<512xi32, #tpu.memory_space<vmem>>) semaphore(%arg7 : memref<!tpu.dma_semaphore, #tpu.memory_space<semaphore_mem>>)
    %dma_start3A_14 = arith.constant 1 : i32
    %dma_start3A_15 = arith.constant 1 : i32
    %dma_start3A_16 = arith.constant 0 : i32
    %dma_start3A_17 = arith.constant 0 : i32
    %dma_start3A_18 = tpu.memref_slice %arg6[%dma_start3A_15, %dma_start3A_16, %dma_start3A_17] : memref<3x512x64xf32, #tpu.memory_space<vmem>> -> memref<1x512x64xf32, #tpu.memory_space<vmem>>
    %dma_start3A_19 = tpu.memref_squeeze %dma_start3A_18 : memref<1x512x64xf32, #tpu.memory_space<vmem>> -> memref<512x64xf32, #tpu.memory_space<vmem>>
    %dma_start3A_20 = arith.constant 0 : i32
    %dma_start3A_21 = tpu.memref_slice %arg5[%dma_start3A_14, %dma_start3A_20] : memref<32x512xi32, #tpu.memory_space<vmem>> -> memref<1x512xi32, #tpu.memory_space<vmem>>
    %dma_start3A_22 = tpu.memref_squeeze %dma_start3A_21 : memref<1x512xi32, #tpu.memory_space<vmem>> -> memref<512xi32, #tpu.memory_space<vmem>>
    %dma_start3A_23 = arith.constant 0 : i32
    %dma_start3A_24 = arith.constant 0 : i32
    %dma_start3A_25 = tpu.memref_slice %arg3[%dma_start3A_23, %dma_start3A_24] : memref<160000x64xf32, #tpu.memory_space<hbm>> -> memref<160000x64xf32, #tpu.memory_space<hbm>>
    tpu.enqueue_indirect_dma source(%dma_start3A_25 : memref<160000x64xf32, #tpu.memory_space<hbm>>) target(%dma_start3A_19 : memref<512x64xf32, #tpu.memory_space<vmem>>) offsets(%dma_start3A_22 : memref<512xi32, #tpu.memory_space<vmem>>) semaphore(%arg8 : memref<!tpu.dma_semaphore, #tpu.memory_space<semaphore_mem>>)
    %dma_wait3A = arith.constant 0 : i32
    %dma_wait3A_26 = arith.constant 0 : i32
    %dma_wait3A_27 = arith.constant 0 : i32
    %dma_wait3A_28 = arith.constant 0 : i32
    %dma_wait3A_29 = tpu.memref_slice %arg6[%dma_wait3A_26, %dma_wait3A_27, %dma_wait3A_28] : memref<3x512x64xf32, #tpu.memory_space<vmem>> -> memref<1x512x64xf32, #tpu.memory_space<vmem>>
    %dma_wait3A_30 = tpu.memref_squeeze %dma_wait3A_29 : memref<1x512x64xf32, #tpu.memory_space<vmem>> -> memref<512x64xf32, #tpu.memory_space<vmem>>
    %dma_wait3A_31 = arith.constant 0 : i32
    %dma_wait3A_32 = tpu.memref_slice %arg5[%dma_wait3A, %dma_wait3A_31] : memref<32x512xi32, #tpu.memory_space<vmem>> -> memref<1x512xi32, #tpu.memory_space<vmem>>
    %dma_wait3A_33 = tpu.memref_squeeze %dma_wait3A_32 : memref<1x512xi32, #tpu.memory_space<vmem>> -> memref<512xi32, #tpu.memory_space<vmem>>
    %dma_wait3A_34 = arith.constant 0 : i32
    %dma_wait3A_35 = arith.constant 0 : i32
    %dma_wait3A_36 = tpu.memref_slice %arg3[%dma_wait3A_34, %dma_wait3A_35] : memref<160000x64xf32, #tpu.memory_space<hbm>> -> memref<160000x64xf32, #tpu.memory_space<hbm>>
    tpu.wait_indirect_dma semaphore(%arg7 : memref<!tpu.dma_semaphore, #tpu.memory_space<semaphore_mem>>) src(%dma_wait3A_36 : memref<160000x64xf32, #tpu.memory_space<hbm>>) dst(%dma_wait3A_30 : memref<512x64xf32, #tpu.memory_space<vmem>>)
    %broadcast_in_dim3A = arith.constant 0.000000e+00 : f32
    %broadcast_in_dim3A_37 = vector.broadcast %broadcast_in_dim3A : f32 to vector<16xf32>
    %swap3A = arith.constant 0 : i32
    %swap3A_38 = arith.constant 0 : i32
    %swap3A_39 = arith.index_cast %swap3A : i32 to index
    %swap3A_40 = arith.index_cast %swap3A_38 : i32 to index
    %swap3A_41 = arith.constant 0 : index
    %swap3A_42 = tpu.vector_load %arg6[%swap3A_39, %swap3A_40, %swap3A_41] {strides = array<i32>} : memref<3x512x64xf32, #tpu.memory_space<vmem>>, vector<1x1x16xf32>,
    %swap3A_43 = vector.shape_cast %swap3A_42 : vector<1x1x16xf32> to vector<16xf32>
    %swap3A_44 = vector.shape_cast %broadcast_in_dim3A_37 : vector<16xf32> to vector<1x1x16xf32>
    tpu.vector_store %arg6[%swap3A_39, %swap3A_40, %swap3A_41], %swap3A_44 {strides = array<i32>} : memref<3x512x64xf32, #tpu.memory_space<vmem>>, vector<1x1x16xf32>,
    %swap3A_45 = arith.constant 0 : i32
    %swap3A_46 = arith.constant 0 : i32
    %swap3A_47 = arith.index_cast %swap3A_45 : i32 to index
    %swap3A_48 = arith.index_cast %swap3A_46 : i32 to index
    %swap3A_49 = arith.constant 16 : index
    %swap3A_50 = tpu.vector_load %arg6[%swap3A_47, %swap3A_48, %swap3A_49] {strides = array<i32>} : memref<3x512x64xf32, #tpu.memory_space<vmem>>, vector<1x1x16xf32>,
    %swap3A_51 = vector.shape_cast %swap3A_50 : vector<1x1x16xf32> to vector<16xf32>
    %swap3A_52 = vector.shape_cast %broadcast_in_dim3A_37 : vector<16xf32> to vector<1x1x16xf32>
    tpu.vector_store %arg6[%swap3A_47, %swap3A_48, %swap3A_49], %swap3A_52 {strides = array<i32>} : memref<3x512x64xf32, #tpu.memory_space<vmem>>, vector<1x1x16xf32>,
    %swap3A_53 = arith.constant 0 : i32
    %swap3A_54 = arith.constant 0 : i32
    %swap3A_55 = arith.index_cast %swap3A_53 : i32 to index
    %swap3A_56 = arith.index_cast %swap3A_54 : i32 to index
    %swap3A_57 = arith.constant 32 : index
    %swap3A_58 = tpu.vector_load %arg6[%swap3A_55, %swap3A_56, %swap3A_57] {strides = array<i32>} : memref<3x512x64xf32, #tpu.memory_space<vmem>>, vector<1x1x16xf32>,
    %swap3A_59 = vector.shape_cast %swap3A_58 : vector<1x1x16xf32> to vector<16xf32>
    %swap3A_60 = vector.shape_cast %broadcast_in_dim3A_37 : vector<16xf32> to vector<1x1x16xf32>
    tpu.vector_store %arg6[%swap3A_55, %swap3A_56, %swap3A_57], %swap3A_60 {strides = array<i32>} : memref<3x512x64xf32, #tpu.memory_space<vmem>>, vector<1x1x16xf32>,
    %swap3A_61 = arith.constant 0 : i32
    %swap3A_62 = arith.constant 0 : i32
    %swap3A_63 = arith.index_cast %swap3A_61 : i32 to index
    %swap3A_64 = arith.index_cast %swap3A_62 : i32 to index
    %swap3A_65 = arith.constant 48 : index
    %swap3A_66 = tpu.vector_load %arg6[%swap3A_63, %swap3A_64, %swap3A_65] {strides = array<i32>} : memref<3x512x64xf32, #tpu.memory_space<vmem>>, vector<1x1x16xf32>,
    %swap3A_67 = vector.shape_cast %swap3A_66 : vector<1x1x16xf32> to vector<16xf32>
    %swap3A_68 = vector.shape_cast %broadcast_in_dim3A_37 : vector<16xf32> to vector<1x1x16xf32>
    tpu.vector_store %arg6[%swap3A_63, %swap3A_64, %swap3A_65], %swap3A_68 {strides = array<i32>} : memref<3x512x64xf32, #tpu.memory_space<vmem>>, vector<1x1x16xf32>,
    %swap3A_69 = arith.constant 0 : i32
    %swap3A_70 = arith.constant 1 : i32
    %swap3A_71 = arith.index_cast %swap3A_69 : i32 to index
    %swap3A_72 = arith.index_cast %swap3A_70 : i32 to index
    %swap3A_73 = arith.constant 0 : index
    %swap3A_74 = tpu.vector_load %arg6[%swap3A_71, %swap3A_72, %swap3A_73] {strides = array<i32>} : memref<3x512x64xf32, #tpu.memory_space<vmem>>, vector<1x1x16xf32>,
    %swap3A_75 = vector.shape_cast %swap3A_74 : vector<1x1x16xf32> to vector<16xf32>
    %swap3A_76 = vector.shape_cast %broadcast_in_dim3A_37 : vector<16xf32> to vector<1x1x16xf32>
    tpu.vector_store %arg6[%swap3A_71, %swap3A_72, %swap3A_73], %swap3A_76 {strides = array<i32>} : memref<3x512x64xf32, #tpu.memory_space<vmem>>, vector<1x1x16xf32>,
    %swap3A_77 = arith.constant 0 : i32
    %swap3A_78 = arith.constant 1 : i32
    %swap3A_79 = arith.index_cast %swap3A_77 : i32 to index
    %swap3A_80 = arith.index_cast %swap3A_78 : i32 to index
    %swap3A_81 = arith.constant 16 : index
    %swap3A_82 = tpu.vector_load %arg6[%swap3A_79, %swap3A_80, %swap3A_81] {strides = array<i32>} : memref<3x512x64xf32, #tpu.memory_space<vmem>>, vector<1x1x16xf32>,
    %swap3A_83 = vector.shape_cast %swap3A_82 : vector<1x1x16xf32> to vector<16xf32>
    %swap3A_84 = vector.shape_cast %broadcast_in_dim3A_37 : vector<16xf32> to vector<1x1x16xf32>
    tpu.vector_store %arg6[%swap3A_79, %swap3A_80, %swap3A_81], %swap3A_84 {strides = array<i32>} : memref<3x512x64xf32, #tpu.memory_space<vmem>>, vector<1x1x16xf32>,
    %swap3A_85 = arith.constant 0 : i32
    %swap3A_86 = arith.constant 1 : i32
    %swap3A_87 = arith.index_cast %swap3A_85 : i32 to index
    %swap3A_88 = arith.index_cast %swap3A_86 : i32 to index
    %swap3A_89 = arith.constant 32 : index
    %swap3A_90 = tpu.vector_load %arg6[%swap3A_87, %swap3A_88, %swap3A_89] {strides = array<i32>} : memref<3x512x64xf32, #tpu.memory_space<vmem>>, vector<1x1x16xf32>,
    %swap3A_91 = vector.shape_cast %swap3A_90 : vector<1x1x16xf32> to vector<16xf32>
    %swap3A_92 = vector.shape_cast %broadcast_in_dim3A_37 : vector<16xf32> to vector<1x1x16xf32>
    tpu.vector_store %arg6[%swap3A_87, %swap3A_88, %swap3A_89], %swap3A_92 {strides = array<i32>} : memref<3x512x64xf32, #tpu.memory_space<vmem>>, vector<1x1x16xf32>,
    %swap3A_93 = arith.constant 0 : i32
    %swap3A_94 = arith.constant 1 : i32
    %swap3A_95 = arith.index_cast %swap3A_93 : i32 to index
    %swap3A_96 = arith.index_cast %swap3A_94 : i32 to index
    %swap3A_97 = arith.constant 48 : index
    %swap3A_98 = tpu.vector_load %arg6[%swap3A_95, %swap3A_96, %swap3A_97] {strides = array<i32>} : memref<3x512x64xf32, #tpu.memory_space<vmem>>, vector<1x1x16xf32>,
    %swap3A_99 = vector.shape_cast %swap3A_98 : vector<1x1x16xf32> to vector<16xf32>
    %swap3A_100 = vector.shape_cast %broadcast_in_dim3A_37 : vector<16xf32> to vector<1x1x16xf32>
    tpu.vector_store %arg6[%swap3A_95, %swap3A_96, %swap3A_97], %swap3A_100 {strides = array<i32>} : memref<3x512x64xf32, #tpu.memory_space<vmem>>, vector<1x1x16xf32>,
    %swap3A_101 = arith.constant 0 : i32
    %swap3A_102 = arith.constant 2 : i32
    %swap3A_103 = arith.index_cast %swap3A_101 : i32 to index
    %swap3A_104 = arith.index_cast %swap3A_102 : i32 to index
    %swap3A_105 = arith.constant 0 : index
    %swap3A_106 = tpu.vector_load %arg6[%swap3A_103, %swap3A_104, %swap3A_105] {strides = array<i32>} : memref<3x512x64xf32, #tpu.memory_space<vmem>>, vector<1x1x16xf32>,
    %swap3A_107 = vector.shape_cast %swap3A_106 : vector<1x1x16xf32> to vector<16xf32>
    %swap3A_108 = vector.shape_cast %broadcast_in_dim3A_37 : vector<16xf32> to vector<1x1x16xf32>
    tpu.vector_store %arg6[%swap3A_103, %swap3A_104, %swap3A_105], %swap3A_108 {strides = array<i32>} : memref<3x512x64xf32, #tpu.memory_space<vmem>>, vector<1x1x16xf32>,
    %swap3A_109 = arith.constant 0 : i32
    %swap3A_110 = arith.constant 2 : i32
    %swap3A_111 = arith.index_cast %swap3A_109 : i32 to index
    %swap3A_112 = arith.index_cast %swap3A_110 : i32 to index
    %swap3A_113 = arith.constant 16 : index
    %swap3A_114 = tpu.vector_load %arg6[%swap3A_111, %swap3A_112, %swap3A_113] {strides = array<i32>} : memref<3x512x64xf32, #tpu.memory_space<vmem>>, vector<1x1x16xf32>,
    %swap3A_115 = vector.shape_cast %swap3A_114 : vector<1x1x16xf32> to vector<16xf32>
    %swap3A_116 = vector.shape_cast %broadcast_in_dim3A_37 : vector<16xf32> to vector<1x1x16xf32>
    tpu.vector_store %arg6[%swap3A_111, %swap3A_112, %swap3A_113], %swap3A_116 {strides = array<i32>} : memref<3x512x64xf32, #tpu.memory_space<vmem>>, vector<1x1x16xf32>,
    %swap3A_117 = arith.constant 0 : i32
    %swap3A_118 = arith.constant 2 : i32
    %swap3A_119 = arith.index_cast %swap3A_117 : i32 to index
    %swap3A_120 = arith.index_cast %swap3A_118 : i32 to index
    %swap3A_121 = arith.constant 32 : index
    %swap3A_122 = tpu.vector_load %arg6[%swap3A_119, %swap3A_120, %swap3A_121] {strides = array<i32>} : memref<3x512x64xf32, #tpu.memory_space<vmem>>, vector<1x1x16xf32>,
    %swap3A_123 = vector.shape_cast %swap3A_122 : vector<1x1x16xf32> to vector<16xf32>
    %swap3A_124 = vector.shape_cast %broadcast_in_dim3A_37 : vector<16xf32> to vector<1x1x16xf32>
    tpu.vector_store %arg6[%swap3A_119, %swap3A_120, %swap3A_121], %swap3A_124 {strides = array<i32>} : memref<3x512x64xf32, #tpu.memory_space<vmem>>, vector<1x1x16xf32>,
    %swap3A_125 = arith.constant 0 : i32
    %swap3A_126 = arith.constant 2 : i32
    %swap3A_127 = arith.index_cast %swap3A_125 : i32 to index
    %swap3A_128 = arith.index_cast %swap3A_126 : i32 to index
    %swap3A_129 = arith.constant 48 : index
    %swap3A_130 = tpu.vector_load %arg6[%swap3A_127, %swap3A_128, %swap3A_129] {strides = array<i32>} : memref<3x512x64xf32, #tpu.memory_space<vmem>>, vector<1x1x16xf32>,
    %swap3A_131 = vector.shape_cast %swap3A_130 : vector<1x1x16xf32> to vector<16xf32>
    %swap3A_132 = vector.shape_cast %broadcast_in_dim3A_37 : vector<16xf32> to vector<1x1x16xf32>
    tpu.vector_store %arg6[%swap3A_127, %swap3A_128, %swap3A_129], %swap3A_132 {strides = array<i32>} : memref<3x512x64xf32, #tpu.memory_space<vmem>>, vector<1x1x16xf32>,
    %add3A_133 = arith.constant 0 : i32
    %add3A_134 = arith.addi %mul3A_2, %add3A_133 : i32
    %dma_start3A_135 = arith.constant 0 : i32
    %dma_start3A_136 = arith.constant 0 : i32
    %dma_start3A_137 = arith.constant 0 : i32
    %dma_start3A_138 = tpu.memref_slice %arg6[%dma_start3A_135, %dma_start3A_136, %dma_start3A_137] : memref<3x512x64xf32, #tpu.memory_space<vmem>> -> memref<1x512x64xf32, #tpu.memory_space<vmem>>
    %dma_start3A_139 = tpu.memref_squeeze %dma_start3A_138 : memref<1x512x64xf32, #tpu.memory_space<vmem>> -> memref<512x64xf32, #tpu.memory_space<vmem>>
    %dma_start3A_140 = arith.constant 0 : i32
    %dma_start3A_141 = arith.constant 0 : i32
    %dma_start3A_142 = tpu.memref_slice %arg4[%add3A_134, %dma_start3A_140, %dma_start3A_141] : memref<1024x512x64xf32, #tpu.memory_space<hbm>> -> memref<1x512x64xf32, #tpu.memory_space<hbm>>
    %dma_start3A_143 = tpu.memref_squeeze %dma_start3A_142 : memref<1x512x64xf32, #tpu.memory_space<hbm>> -> memref<512x64xf32, #tpu.memory_space<hbm>>
    %dma_start3A_144 = arith.constant 0 : i32
    %dma_start3A_145 = arith.constant 0 : i32
    %dma_start3A_146 = tpu.memref_slice %arg4[%add3A_134, %dma_start3A_144, %dma_start3A_145] : memref<1024x512x64xf32, #tpu.memory_space<hbm>> -> memref<1x512x64xf32, #tpu.memory_space<hbm>>
    %dma_start3A_147 = tpu.memref_squeeze %dma_start3A_146 : memref<1x512x64xf32, #tpu.memory_space<hbm>> -> memref<512x64xf32, #tpu.memory_space<hbm>>
    %dma_start3A_148 = arith.constant 0 : i32
    %dma_start3A_149 = arith.constant 0 : i32
    %dma_start3A_150 = tpu.memref_slice %arg6[%dma_start3A_135, %dma_start3A_148, %dma_start3A_149] : memref<3x512x64xf32, #tpu.memory_space<vmem>> -> memref<1x512x64xf32, #tpu.memory_space<vmem>>
    %dma_start3A_151 = tpu.memref_squeeze %dma_start3A_150 : memref<1x512x64xf32, #tpu.memory_space<vmem>> -> memref<512x64xf32, #tpu.memory_space<vmem>>
    tpu.enqueue_dma source(%dma_start3A_151 : memref<512x64xf32, #tpu.memory_space<vmem>>) target(%dma_start3A_147 : memref<512x64xf32, #tpu.memory_space<hbm>>) target_semaphore(%arg10 : memref<!tpu.dma_semaphore, #tpu.memory_space<semaphore_mem>>)
    %dma_start3A_152 = arith.constant 2 : i32
    %dma_start3A_153 = arith.constant 2 : i32
    %dma_start3A_154 = arith.constant 0 : i32
    %dma_start3A_155 = arith.constant 0 : i32
    %dma_start3A_156 = tpu.memref_slice %arg6[%dma_start3A_153, %dma_start3A_154, %dma_start3A_155] : memref<3x512x64xf32, #tpu.memory_space<vmem>> -> memref<1x512x64xf32, #tpu.memory_space<vmem>>
    %dma_start3A_157 = tpu.memref_squeeze %dma_start3A_156 : memref<1x512x64xf32, #tpu.memory_space<vmem>> -> memref<512x64xf32, #tpu.memory_space<vmem>>
    %dma_start3A_158 = arith.constant 0 : i32
    %dma_start3A_159 = tpu.memref_slice %arg5[%dma_start3A_152, %dma_start3A_158] : memref<32x512xi32, #tpu.memory_space<vmem>> -> memref<1x512xi32, #tpu.memory_space<vmem>>
    %dma_start3A_160 = tpu.memref_squeeze %dma_start3A_159 : memref<1x512xi32, #tpu.memory_space<vmem>> -> memref<512xi32, #tpu.memory_space<vmem>>
    %dma_start3A_161 = arith.constant 0 : i32
    %dma_start3A_162 = arith.constant 0 : i32
    %dma_start3A_163 = tpu.memref_slice %arg3[%dma_start3A_161, %dma_start3A_162] : memref<160000x64xf32, #tpu.memory_space<hbm>> -> memref<160000x64xf32, #tpu.memory_space<hbm>>
    tpu.enqueue_indirect_dma source(%dma_start3A_163 : memref<160000x64xf32, #tpu.memory_space<hbm>>) target(%dma_start3A_157 : memref<512x64xf32, #tpu.memory_space<vmem>>) offsets(%dma_start3A_160 : memref<512xi32, #tpu.memory_space<vmem>>) semaphore(%arg9 : memref<!tpu.dma_semaphore, #tpu.memory_space<semaphore_mem>>)
    %dma_wait3A_164 = arith.constant 0 : i32
    %dma_wait3A_165 = arith.constant 1 : i32
    %dma_wait3A_166 = arith.constant 0 : i32
    %dma_wait3A_167 = arith.constant 0 : i32
    %dma_wait3A_168 = tpu.memref_slice %arg6[%dma_wait3A_165, %dma_wait3A_166, %dma_wait3A_167] : memref<3x512x64xf32, #tpu.memory_space<vmem>> -> memref<1x512x64xf32, #tpu.memory_space<vmem>>
    %dma_wait3A_169 = tpu.memref_squeeze %dma_wait3A_168 : memref<1x512x64xf32, #tpu.memory_space<vmem>> -> memref<512x64xf32, #tpu.memory_space<vmem>>
    %dma_wait3A_170 = arith.constant 0 : i32
    %dma_wait3A_171 = tpu.memref_slice %arg5[%dma_wait3A_164, %dma_wait3A_170] : memref<32x512xi32, #tpu.memory_space<vmem>> -> memref<1x512xi32, #tpu.memory_space<vmem>>
    %dma_wait3A_172 = tpu.memref_squeeze %dma_wait3A_171 : memref<1x512xi32, #tpu.memory_space<vmem>> -> memref<512xi32, #tpu.memory_space<vmem>>
    %dma_wait3A_173 = arith.constant 0 : i32
    %dma_wait3A_174 = arith.constant 0 : i32
    %dma_wait3A_175 = tpu.memref_slice %arg3[%dma_wait3A_173, %dma_wait3A_174] : memref<160000x64xf32, #tpu.memory_space<hbm>> -> memref<160000x64xf32, #tpu.memory_space<hbm>>
    tpu.wait_indirect_dma semaphore(%arg8 : memref<!tpu.dma_semaphore, #tpu.memory_space<semaphore_mem>>) src(%dma_wait3A_175 : memref<160000x64xf32, #tpu.memory_space<hbm>>) dst(%dma_wait3A_169 : memref<512x64xf32, #tpu.memory_space<vmem>>)
    %broadcast_in_dim3A_176 = arith.constant 0.000000e+00 : f32
    %broadcast_in_dim3A_177 = vector.broadcast %broadcast_in_dim3A_176 : f32 to vector<16xf32>
    %swap3A_178 = arith.constant 1 : i32
    %swap3A_179 = arith.constant 0 : i32
    %swap3A_180 = arith.index_cast %swap3A_178 : i32 to index
    %swap3A_181 = arith.index_cast %swap3A_179 : i32 to index
    %swap3A_182 = arith.constant 0 : index
    %swap3A_183 = tpu.vector_load %arg6[%swap3A_180, %swap3A_181, %swap3A_182] {strides = array<i32>} : memref<3x512x64xf32, #tpu.memory_space<vmem>>, vector<1x1x16xf32>,
    %swap3A_184 = vector.shape_cast %swap3A_183 : vector<1x1x16xf32> to vector<16xf32>
    %swap3A_185 = vector.shape_cast %broadcast_in_dim3A_177 : vector<16xf32> to vector<1x1x16xf32>
    tpu.vector_store %arg6[%swap3A_180, %swap3A_181, %swap3A_182], %swap3A_185 {strides = array<i32>} : memref<3x512x64xf32, #tpu.memory_space<vmem>>, vector<1x1x16xf32>,
    %swap3A_186 = arith.constant 1 : i32
    %swap3A_187 = arith.constant 0 : i32
    %swap3A_188 = arith.index_cast %swap3A_186 : i32 to index
    %swap3A_189 = arith.index_cast %swap3A_187 : i32 to index
    %swap3A_190 = arith.constant 16 : index
    %swap3A_191 = tpu.vector_load %arg6[%swap3A_188, %swap3A_189, %swap3A_190] {strides = array<i32>} : memref<3x512x64xf32, #tpu.memory_space<vmem>>, vector<1x1x16xf32>,
    %swap3A_192 = vector.shape_cast %swap3A_191 : vector<1x1x16xf32> to vector<16xf32>
    %swap3A_193 = vector.shape_cast %broadcast_in_dim3A_177 : vector<16xf32> to vector<1x1x16xf32>
    tpu.vector_store %arg6[%swap3A_188, %swap3A_189, %swap3A_190], %swap3A_193 {strides = array<i32>} : memref<3x512x64xf32, #tpu.memory_space<vmem>>, vector<1x1x16xf32>,
    %swap3A_194 = arith.constant 1 : i32
    %swap3A_195 = arith.constant 0 : i32
    %swap3A_196 = arith.index_cast %swap3A_194 : i32 to index
    %swap3A_197 = arith.index_cast %swap3A_195 : i32 to index
    %swap3A_198 = arith.constant 32 : index
    %swap3A_199 = tpu.vector_load %arg6[%swap3A_196, %swap3A_197, %swap3A_198] {strides = array<i32>} : memref<3x512x64xf32, #tpu.memory_space<vmem>>, vector<1x1x16xf32>,
    %swap3A_200 = vector.shape_cast %swap3A_199 : vector<1x1x16xf32> to vector<16xf32>
    %swap3A_201 = vector.shape_cast %broadcast_in_dim3A_177 : vector<16xf32> to vector<1x1x16xf32>
    tpu.vector_store %arg6[%swap3A_196, %swap3A_197, %swap3A_198], %swap3A_201 {strides = array<i32>} : memref<3x512x64xf32, #tpu.memory_space<vmem>>, vector<1x1x16xf32>,
    %swap3A_202 = arith.constant 1 : i32
    %swap3A_203 = arith.constant 0 : i32
    %swap3A_204 = arith.index_cast %swap3A_202 : i32 to index
    %swap3A_205 = arith.index_cast %swap3A_203 : i32 to index
    %swap3A_206 = arith.constant 48 : index
    %swap3A_207 = tpu.vector_load %arg6[%swap3A_204, %swap3A_205, %swap3A_206] {strides = array<i32>} : memref<3x512x64xf32, #tpu.memory_space<vmem>>, vector<1x1x16xf32>,
    %swap3A_208 = vector.shape_cast %swap3A_207 : vector<1x1x16xf32> to vector<16xf32>
    %swap3A_209 = vector.shape_cast %broadcast_in_dim3A_177 : vector<16xf32> to vector<1x1x16xf32>
    tpu.vector_store %arg6[%swap3A_204, %swap3A_205, %swap3A_206], %swap3A_209 {strides = array<i32>} : memref<3x512x64xf32, #tpu.memory_space<vmem>>, vector<1x1x16xf32>,
    %swap3A_210 = arith.constant 1 : i32
    %swap3A_211 = arith.constant 1 : i32
    %swap3A_212 = arith.index_cast %swap3A_210 : i32 to index
    %swap3A_213 = arith.index_cast %swap3A_211 : i32 to index
    %swap3A_214 = arith.constant 0 : index
    %swap3A_215 = tpu.vector_load %arg6[%swap3A_212, %swap3A_213, %swap3A_214] {strides = array<i32>} : memref<3x512x64xf32, #tpu.memory_space<vmem>>, vector<1x1x16xf32>,
    %swap3A_216 = vector.shape_cast %swap3A_215 : vector<1x1x16xf32> to vector<16xf32>
    %swap3A_217 = vector.shape_cast %broadcast_in_dim3A_177 : vector<16xf32> to vector<1x1x16xf32>
    tpu.vector_store %arg6[%swap3A_212, %swap3A_213, %swap3A_214], %swap3A_217 {strides = array<i32>} : memref<3x512x64xf32, #tpu.memory_space<vmem>>, vector<1x1x16xf32>,
    %swap3A_218 = arith.constant 1 : i32
    %swap3A_219 = arith.constant 1 : i32
    %swap3A_220 = arith.index_cast %swap3A_218 : i32 to index
    %swap3A_221 = arith.index_cast %swap3A_219 : i32 to index
    %swap3A_222 = arith.constant 16 : index
    %swap3A_223 = tpu.vector_load %arg6[%swap3A_220, %swap3A_221, %swap3A_222] {strides = array<i32>} : memref<3x512x64xf32, #tpu.memory_space<vmem>>, vector<1x1x16xf32>,
    %swap3A_224 = vector.shape_cast %swap3A_223 : vector<1x1x16xf32> to vector<16xf32>
    %swap3A_225 = vector.shape_cast %broadcast_in_dim3A_177 : vector<16xf32> to vector<1x1x16xf32>
    tpu.vector_store %arg6[%swap3A_220, %swap3A_221, %swap3A_222], %swap3A_225 {strides = array<i32>} : memref<3x512x64xf32, #tpu.memory_space<vmem>>, vector<1x1x16xf32>,
    %swap3A_226 = arith.constant 1 : i32
    %swap3A_227 = arith.constant 1 : i32
    %swap3A_228 = arith.index_cast %swap3A_226 : i32 to index
    %swap3A_229 = arith.index_cast %swap3A_227 : i32 to index
    %swap3A_230 = arith.constant 32 : index
    %swap3A_231 = tpu.vector_load %arg6[%swap3A_228, %swap3A_229, %swap3A_230] {strides = array<i32>} : memref<3x512x64xf32, #tpu.memory_space<vmem>>, vector<1x1x16xf32>,
    %swap3A_232 = vector.shape_cast %swap3A_231 : vector<1x1x16xf32> to vector<16xf32>
    %swap3A_233 = vector.shape_cast %broadcast_in_dim3A_177 : vector<16xf32> to vector<1x1x16xf32>
    tpu.vector_store %arg6[%swap3A_228, %swap3A_229, %swap3A_230], %swap3A_233 {strides = array<i32>} : memref<3x512x64xf32, #tpu.memory_space<vmem>>, vector<1x1x16xf32>,
    %swap3A_234 = arith.constant 1 : i32
    %swap3A_235 = arith.constant 1 : i32
    %swap3A_236 = arith.index_cast %swap3A_234 : i32 to index
    %swap3A_237 = arith.index_cast %swap3A_235 : i32 to index
    %swap3A_238 = arith.constant 48 : index
    %swap3A_239 = tpu.vector_load %arg6[%swap3A_236, %swap3A_237, %swap3A_238] {strides = array<i32>} : memref<3x512x64xf32, #tpu.memory_space<vmem>>, vector<1x1x16xf32>,
    %swap3A_240 = vector.shape_cast %swap3A_239 : vector<1x1x16xf32> to vector<16xf32>
    %swap3A_241 = vector.shape_cast %broadcast_in_dim3A_177 : vector<16xf32> to vector<1x1x16xf32>
    tpu.vector_store %arg6[%swap3A_236, %swap3A_237, %swap3A_238], %swap3A_241 {strides = array<i32>} : memref<3x512x64xf32, #tpu.memory_space<vmem>>, vector<1x1x16xf32>,
    %swap3A_242 = arith.constant 1 : i32
    %swap3A_243 = arith.constant 2 : i32
    %swap3A_244 = arith.index_cast %swap3A_242 : i32 to index
    %swap3A_245 = arith.index_cast %swap3A_243 : i32 to index
    %swap3A_246 = arith.constant 0 : index
    %swap3A_247 = tpu.vector_load %arg6[%swap3A_244, %swap3A_245, %swap3A_246] {strides = array<i32>} : memref<3x512x64xf32, #tpu.memory_space<vmem>>, vector<1x1x16xf32>,
    %swap3A_248 = vector.shape_cast %swap3A_247 : vector<1x1x16xf32> to vector<16xf32>
    %swap3A_249 = vector.shape_cast %broadcast_in_dim3A_177 : vector<16xf32> to vector<1x1x16xf32>
    tpu.vector_store %arg6[%swap3A_244, %swap3A_245, %swap3A_246], %swap3A_249 {strides = array<i32>} : memref<3x512x64xf32, #tpu.memory_space<vmem>>, vector<1x1x16xf32>,
    %swap3A_250 = arith.constant 1 : i32
    %swap3A_251 = arith.constant 2 : i32
    %swap3A_252 = arith.index_cast %swap3A_250 : i32 to index
    %swap3A_253 = arith.index_cast %swap3A_251 : i32 to index
    %swap3A_254 = arith.constant 16 : index
    %swap3A_255 = tpu.vector_load %arg6[%swap3A_252, %swap3A_253, %swap3A_254] {strides = array<i32>} : memref<3x512x64xf32, #tpu.memory_space<vmem>>, vector<1x1x16xf32>,
    %swap3A_256 = vector.shape_cast %swap3A_255 : vector<1x1x16xf32> to vector<16xf32>
    %swap3A_257 = vector.shape_cast %broadcast_in_dim3A_177 : vector<16xf32> to vector<1x1x16xf32>
    tpu.vector_store %arg6[%swap3A_252, %swap3A_253, %swap3A_254], %swap3A_257 {strides = array<i32>} : memref<3x512x64xf32, #tpu.memory_space<vmem>>, vector<1x1x16xf32>,
    %swap3A_258 = arith.constant 1 : i32
    %swap3A_259 = arith.constant 2 : i32
    %swap3A_260 = arith.index_cast %swap3A_258 : i32 to index
    %swap3A_261 = arith.index_cast %swap3A_259 : i32 to index
    %swap3A_262 = arith.constant 32 : index
    %swap3A_263 = tpu.vector_load %arg6[%swap3A_260, %swap3A_261, %swap3A_262] {strides = array<i32>} : memref<3x512x64xf32, #tpu.memory_space<vmem>>, vector<1x1x16xf32>,
    %swap3A_264 = vector.shape_cast %swap3A_263 : vector<1x1x16xf32> to vector<16xf32>
    %swap3A_265 = vector.shape_cast %broadcast_in_dim3A_177 : vector<16xf32> to vector<1x1x16xf32>
    tpu.vector_store %arg6[%swap3A_260, %swap3A_261, %swap3A_262], %swap3A_265 {strides = array<i32>} : memref<3x512x64xf32, #tpu.memory_space<vmem>>, vector<1x1x16xf32>,
    %swap3A_266 = arith.constant 1 : i32
    %swap3A_267 = arith.constant 2 : i32
    %swap3A_268 = arith.index_cast %swap3A_266 : i32 to index
    %swap3A_269 = arith.index_cast %swap3A_267 : i32 to index
    %swap3A_270 = arith.constant 48 : index
    %swap3A_271 = tpu.vector_load %arg6[%swap3A_268, %swap3A_269, %swap3A_270] {strides = array<i32>} : memref<3x512x64xf32, #tpu.memory_space<vmem>>, vector<1x1x16xf32>,
    %swap3A_272 = vector.shape_cast %swap3A_271 : vector<1x1x16xf32> to vector<16xf32>
    %swap3A_273 = vector.shape_cast %broadcast_in_dim3A_177 : vector<16xf32> to vector<1x1x16xf32>
    tpu.vector_store %arg6[%swap3A_268, %swap3A_269, %swap3A_270], %swap3A_273 {strides = array<i32>} : memref<3x512x64xf32, #tpu.memory_space<vmem>>, vector<1x1x16xf32>,
    %add3A_274 = arith.constant 1 : i32
    %add3A_275 = arith.addi %mul3A_2, %add3A_274 : i32
    %dma_start3A_276 = arith.constant 1 : i32
    %dma_start3A_277 = arith.constant 0 : i32
    %dma_start3A_278 = arith.constant 0 : i32
    %dma_start3A_279 = tpu.memref_slice %arg6[%dma_start3A_276, %dma_start3A_277, %dma_start3A_278] : memref<3x512x64xf32, #tpu.memory_space<vmem>> -> memref<1x512x64xf32, #tpu.memory_space<vmem>>
    %dma_start3A_280 = tpu.memref_squeeze %dma_start3A_279 : memref<1x512x64xf32, #tpu.memory_space<vmem>> -> memref<512x64xf32, #tpu.memory_space<vmem>>
    %dma_start3A_281 = arith.constant 0 : i32
    %dma_start3A_282 = arith.constant 0 : i32
    %dma_start3A_283 = tpu.memref_slice %arg4[%add3A_275, %dma_start3A_281, %dma_start3A_282] : memref<1024x512x64xf32, #tpu.memory_space<hbm>> -> memref<1x512x64xf32, #tpu.memory_space<hbm>>
    %dma_start3A_284 = tpu.memref_squeeze %dma_start3A_283 : memref<1x512x64xf32, #tpu.memory_space<hbm>> -> memref<512x64xf32, #tpu.memory_space<hbm>>
    %dma_start3A_285 = arith.constant 0 : i32
    %dma_start3A_286 = arith.constant 0 : i32
    %dma_start3A_287 = tpu.memref_slice %arg4[%add3A_275, %dma_start3A_285, %dma_start3A_286] : memref<1024x512x64xf32, #tpu.memory_space<hbm>> -> memref<1x512x64xf32, #tpu.memory_space<hbm>>
    %dma_start3A_288 = tpu.memref_squeeze %dma_start3A_287 : memref<1x512x64xf32, #tpu.memory_space<hbm>> -> memref<512x64xf32, #tpu.memory_space<hbm>>
    %dma_start3A_289 = arith.constant 0 : i32
    %dma_start3A_290 = arith.constant 0 : i32
    %dma_start3A_291 = tpu.memref_slice %arg6[%dma_start3A_276, %dma_start3A_289, %dma_start3A_290] : memref<3x512x64xf32, #tpu.memory_space<vmem>> -> memref<1x512x64xf32, #tpu.memory_space<vmem>>
    %dma_start3A_292 = tpu.memref_squeeze %dma_start3A_291 : memref<1x512x64xf32, #tpu.memory_space<vmem>> -> memref<512x64xf32, #tpu.memory_space<vmem>>
    tpu.enqueue_dma source(%dma_start3A_292 : memref<512x64xf32, #tpu.memory_space<vmem>>) target(%dma_start3A_288 : memref<512x64xf32, #tpu.memory_space<hbm>>) target_semaphore(%arg11 : memref<!tpu.dma_semaphore, #tpu.memory_space<semaphore_mem>>)
    %dma_wait3A_293 = arith.constant 0 : i32
    %dma_wait3A_294 = arith.constant 0 : i32
    %dma_wait3A_295 = arith.constant 0 : i32
    %dma_wait3A_296 = tpu.memref_slice %arg6[%dma_wait3A_293, %dma_wait3A_294, %dma_wait3A_295] : memref<3x512x64xf32, #tpu.memory_space<vmem>> -> memref<1x512x64xf32, #tpu.memory_space<vmem>>
    %dma_wait3A_297 = tpu.memref_squeeze %dma_wait3A_296 : memref<1x512x64xf32, #tpu.memory_space<vmem>> -> memref<512x64xf32, #tpu.memory_space<vmem>>
    %dma_wait3A_298 = arith.constant 0 : i32
    %dma_wait3A_299 = arith.constant 0 : i32
    %dma_wait3A_300 = tpu.memref_slice %arg4[%mul3A_2, %dma_wait3A_298, %dma_wait3A_299] : memref<1024x512x64xf32, #tpu.memory_space<hbm>> -> memref<1x512x64xf32, #tpu.memory_space<hbm>>
    %dma_wait3A_301 = tpu.memref_squeeze %dma_wait3A_300 : memref<1x512x64xf32, #tpu.memory_space<hbm>> -> memref<512x64xf32, #tpu.memory_space<hbm>>
    %dma_wait3A_302 = arith.constant 0 : i32
    %dma_wait3A_303 = arith.constant 0 : i32
    %dma_wait3A_304 = tpu.memref_slice %arg4[%mul3A_2, %dma_wait3A_302, %dma_wait3A_303] : memref<1024x512x64xf32, #tpu.memory_space<hbm>> -> memref<1x512x64xf32, #tpu.memory_space<hbm>>
    %dma_wait3A_305 = tpu.memref_squeeze %dma_wait3A_304 : memref<1x512x64xf32, #tpu.memory_space<hbm>> -> memref<512x64xf32, #tpu.memory_space<hbm>>
    %dma_wait3A_306 = arith.constant 0 : i32
    %dma_wait3A_307 = arith.constant 0 : i32
    %dma_wait3A_308 = tpu.memref_slice %arg6[%dma_wait3A_293, %dma_wait3A_306, %dma_wait3A_307] : memref<3x512x64xf32, #tpu.memory_space<vmem>> -> memref<1x512x64xf32, #tpu.memory_space<vmem>>
    %dma_wait3A_309 = tpu.memref_squeeze %dma_wait3A_308 : memref<1x512x64xf32, #tpu.memory_space<vmem>> -> memref<512x64xf32, #tpu.memory_space<vmem>>
    tpu.wait_dma2 semaphore(%arg10 : memref<!tpu.dma_semaphore, #tpu.memory_space<semaphore_mem>>) src(%dma_wait3A_309 : memref<512x64xf32, #tpu.memory_space<vmem>>) dst(%dma_wait3A_305 : memref<512x64xf32, #tpu.memory_space<hbm>>)
    %dma_start3A_310 = arith.constant 3 : i32
    %dma_start3A_311 = arith.constant 0 : i32
    %dma_start3A_312 = arith.constant 0 : i32
    %dma_start3A_313 = arith.constant 0 : i32
    %dma_start3A_314 = tpu.memref_slice %arg6[%dma_start3A_311, %dma_start3A_312, %dma_start3A_313] : memref<3x512x64xf32, #tpu.memory_space<vmem>> -> memref<1x512x64xf32, #tpu.memory_space<vmem>>
    %dma_start3A_315 = tpu.memref_squeeze %dma_start3A_314 : memref<1x512x64xf32, #tpu.memory_space<vmem>> -> memref<512x64xf32, #tpu.memory_space<vmem>>
    %dma_start3A_316 = arith.constant 0 : i32
    %dma_start3A_317 = tpu.memref_slice %arg5[%dma_start3A_310, %dma_start3A_316] : memref<32x512xi32, #tpu.memory_space<vmem>> -> memref<1x512xi32, #tpu.memory_space<vmem>>
    %dma_start3A_318 = tpu.memref_squeeze %dma_start3A_317 : memref<1x512xi32, #tpu.memory_space<vmem>> -> memref<512xi32, #tpu.memory_space<vmem>>
    %dma_start3A_319 = arith.constant 0 : i32
    %dma_start3A_320 = arith.constant 0 : i32
    %dma_start3A_321 = tpu.memref_slice %arg3[%dma_start3A_319, %dma_start3A_320] : memref<160000x64xf32, #tpu.memory_space<hbm>> -> memref<160000x64xf32, #tpu.memory_space<hbm>>
    tpu.enqueue_indirect_dma source(%dma_start3A_321 : memref<160000x64xf32, #tpu.memory_space<hbm>>) target(%dma_start3A_315 : memref<512x64xf32, #tpu.memory_space<vmem>>) offsets(%dma_start3A_318 : memref<512xi32, #tpu.memory_space<vmem>>) semaphore(%arg7 : memref<!tpu.dma_semaphore, #tpu.memory_space<semaphore_mem>>)
    %scan3A = arith.constant 0 : i32
    %scan3A_322 = arith.constant 0 : i32
    %scan3A_323 = arith.constant 10 : i32
    %scan3A_324 = arith.addi %scan3A_322, %scan3A_323 : i32
    %scan3A_325 = arith.constant 1 : i32
    %scan3A_326 = scf.for %scan3A_379 = %scan3A_322 to %scan3A_324 step %scan3A_325 iter_args(%scan3A_380 = %scan3A) -> (i32)  : i32 {
      %mul3A_381 = arith.constant 3 : i32
      %mul3A_382 = arith.muli %mul3A_381, %scan3A_379 : i32
      %add3A_383 = arith.constant 2 : i32
      %add3A_384 = arith.addi %mul3A_382, %add3A_383 : i32
      %add3A_385 = arith.constant 0 : i32
      %add3A_386 = arith.addi %add3A_384, %add3A_385 : i32
      %dma_wait3A_387 = arith.constant 0 : i32
      %dma_wait3A_388 = arith.constant 2 : i32
      %dma_wait3A_389 = arith.constant 0 : i32
      %dma_wait3A_390 = arith.constant 0 : i32
      %dma_wait3A_391 = tpu.memref_slice %arg6[%dma_wait3A_388, %dma_wait3A_389, %dma_wait3A_390] : memref<3x512x64xf32, #tpu.memory_space<vmem>> -> memref<1x512x64xf32, #tpu.memory_space<vmem>>
      %dma_wait3A_392 = tpu.memref_squeeze %dma_wait3A_391 : memref<1x512x64xf32, #tpu.memory_space<vmem>> -> memref<512x64xf32, #tpu.memory_space<vmem>>
      %dma_wait3A_393 = arith.constant 0 : i32
      %dma_wait3A_394 = tpu.memref_slice %arg5[%dma_wait3A_387, %dma_wait3A_393] : memref<32x512xi32, #tpu.memory_space<vmem>> -> memref<1x512xi32, #tpu.memory_space<vmem>>
      %dma_wait3A_395 = tpu.memref_squeeze %dma_wait3A_394 : memref<1x512xi32, #tpu.memory_space<vmem>> -> memref<512xi32, #tpu.memory_space<vmem>>
      %dma_wait3A_396 = arith.constant 0 : i32
      %dma_wait3A_397 = arith.constant 0 : i32
      %dma_wait3A_398 = tpu.memref_slice %arg3[%dma_wait3A_396, %dma_wait3A_397] : memref<160000x64xf32, #tpu.memory_space<hbm>> -> memref<160000x64xf32, #tpu.memory_space<hbm>>
      tpu.wait_indirect_dma semaphore(%arg9 : memref<!tpu.dma_semaphore, #tpu.memory_space<semaphore_mem>>) src(%dma_wait3A_398 : memref<160000x64xf32, #tpu.memory_space<hbm>>) dst(%dma_wait3A_392 : memref<512x64xf32, #tpu.memory_space<vmem>>)
      %broadcast_in_dim3A_399 = arith.constant 0.000000e+00 : f32
      %broadcast_in_dim3A_400 = vector.broadcast %broadcast_in_dim3A_399 : f32 to vector<16xf32>
      %swap3A_401 = arith.constant 2 : i32
      %swap3A_402 = arith.constant 0 : i32
      %swap3A_403 = arith.index_cast %swap3A_401 : i32 to index
      %swap3A_404 = arith.index_cast %swap3A_402 : i32 to index
      %swap3A_405 = arith.constant 0 : index
      %swap3A_406 = tpu.vector_load %arg6[%swap3A_403, %swap3A_404, %swap3A_405] {strides = array<i32>} : memref<3x512x64xf32, #tpu.memory_space<vmem>>, vector<1x1x16xf32>,
      %swap3A_407 = vector.shape_cast %swap3A_406 : vector<1x1x16xf32> to vector<16xf32>
      %swap3A_408 = vector.shape_cast %broadcast_in_dim3A_400 : vector<16xf32> to vector<1x1x16xf32>
      tpu.vector_store %arg6[%swap3A_403, %swap3A_404, %swap3A_405], %swap3A_408 {strides = array<i32>} : memref<3x512x64xf32, #tpu.memory_space<vmem>>, vector<1x1x16xf32>,
      %swap3A_409 = arith.constant 2 : i32
      %swap3A_410 = arith.constant 0 : i32
      %swap3A_411 = arith.index_cast %swap3A_409 : i32 to index
      %swap3A_412 = arith.index_cast %swap3A_410 : i32 to index
      %swap3A_413 = arith.constant 16 : index
      %swap3A_414 = tpu.vector_load %arg6[%swap3A_411, %swap3A_412, %swap3A_413] {strides = array<i32>} : memref<3x512x64xf32, #tpu.memory_space<vmem>>, vector<1x1x16xf32>,
      %swap3A_415 = vector.shape_cast %swap3A_414 : vector<1x1x16xf32> to vector<16xf32>
      %swap3A_416 = vector.shape_cast %broadcast_in_dim3A_400 : vector<16xf32> to vector<1x1x16xf32>
      tpu.vector_store %arg6[%swap3A_411, %swap3A_412, %swap3A_413], %swap3A_416 {strides = array<i32>} : memref<3x512x64xf32, #tpu.memory_space<vmem>>, vector<1x1x16xf32>,
      %swap3A_417 = arith.constant 2 : i32
      %swap3A_418 = arith.constant 0 : i32
      %swap3A_419 = arith.index_cast %swap3A_417 : i32 to index
      %swap3A_420 = arith.index_cast %swap3A_418 : i32 to index
      %swap3A_421 = arith.constant 32 : index
      %swap3A_422 = tpu.vector_load %arg6[%swap3A_419, %swap3A_420, %swap3A_421] {strides = array<i32>} : memref<3x512x64xf32, #tpu.memory_space<vmem>>, vector<1x1x16xf32>,
      %swap3A_423 = vector.shape_cast %swap3A_422 : vector<1x1x16xf32> to vector<16xf32>
      %swap3A_424 = vector.shape_cast %broadcast_in_dim3A_400 : vector<16xf32> to vector<1x1x16xf32>
      tpu.vector_store %arg6[%swap3A_419, %swap3A_420, %swap3A_421], %swap3A_424 {strides = array<i32>} : memref<3x512x64xf32, #tpu.memory_space<vmem>>, vector<1x1x16xf32>,
      %swap3A_425 = arith.constant 2 : i32
      %swap3A_426 = arith.constant 0 : i32
      %swap3A_427 = arith.index_cast %swap3A_425 : i32 to index
      %swap3A_428 = arith.index_cast %swap3A_426 : i32 to index
      %swap3A_429 = arith.constant 48 : index
      %swap3A_430 = tpu.vector_load %arg6[%swap3A_427, %swap3A_428, %swap3A_429] {strides = array<i32>} : memref<3x512x64xf32, #tpu.memory_space<vmem>>, vector<1x1x16xf32>,
      %swap3A_431 = vector.shape_cast %swap3A_430 : vector<1x1x16xf32> to vector<16xf32>
      %swap3A_432 = vector.shape_cast %broadcast_in_dim3A_400 : vector<16xf32> to vector<1x1x16xf32>
      tpu.vector_store %arg6[%swap3A_427, %swap3A_428, %swap3A_429], %swap3A_432 {strides = array<i32>} : memref<3x512x64xf32, #tpu.memory_space<vmem>>, vector<1x1x16xf32>,
      %swap3A_433 = arith.constant 2 : i32
      %swap3A_434 = arith.constant 1 : i32
      %swap3A_435 = arith.index_cast %swap3A_433 : i32 to index
      %swap3A_436 = arith.index_cast %swap3A_434 : i32 to index
      %swap3A_437 = arith.constant 0 : index
      %swap3A_438 = tpu.vector_load %arg6[%swap3A_435, %swap3A_436, %swap3A_437] {strides = array<i32>} : memref<3x512x64xf32, #tpu.memory_space<vmem>>, vector<1x1x16xf32>,
      %swap3A_439 = vector.shape_cast %swap3A_438 : vector<1x1x16xf32> to vector<16xf32>
      %swap3A_440 = vector.shape_cast %broadcast_in_dim3A_400 : vector<16xf32> to vector<1x1x16xf32>
      tpu.vector_store %arg6[%swap3A_435, %swap3A_436, %swap3A_437], %swap3A_440 {strides = array<i32>} : memref<3x512x64xf32, #tpu.memory_space<vmem>>, vector<1x1x16xf32>,
      %swap3A_441 = arith.constant 2 : i32
      %swap3A_442 = arith.constant 1 : i32
      %swap3A_443 = arith.index_cast %swap3A_441 : i32 to index
      %swap3A_444 = arith.index_cast %swap3A_442 : i32 to index
      %swap3A_445 = arith.constant 16 : index
      %swap3A_446 = tpu.vector_load %arg6[%swap3A_443, %swap3A_444, %swap3A_445] {strides = array<i32>} : memref<3x512x64xf32, #tpu.memory_space<vmem>>, vector<1x1x16xf32>,
      %swap3A_447 = vector.shape_cast %swap3A_446 : vector<1x1x16xf32> to vector<16xf32>
      %swap3A_448 = vector.shape_cast %broadcast_in_dim3A_400 : vector<16xf32> to vector<1x1x16xf32>
      tpu.vector_store %arg6[%swap3A_443, %swap3A_444, %swap3A_445], %swap3A_448 {strides = array<i32>} : memref<3x512x64xf32, #tpu.memory_space<vmem>>, vector<1x1x16xf32>,
      %swap3A_449 = arith.constant 2 : i32
      %swap3A_450 = arith.constant 1 : i32
      %swap3A_451 = arith.index_cast %swap3A_449 : i32 to index
      %swap3A_452 = arith.index_cast %swap3A_450 : i32 to index
      %swap3A_453 = arith.constant 32 : index
      %swap3A_454 = tpu.vector_load %arg6[%swap3A_451, %swap3A_452, %swap3A_453] {strides = array<i32>} : memref<3x512x64xf32, #tpu.memory_space<vmem>>, vector<1x1x16xf32>,
      %swap3A_455 = vector.shape_cast %swap3A_454 : vector<1x1x16xf32> to vector<16xf32>
      %swap3A_456 = vector.shape_cast %broadcast_in_dim3A_400 : vector<16xf32> to vector<1x1x16xf32>
      tpu.vector_store %arg6[%swap3A_451, %swap3A_452, %swap3A_453], %swap3A_456 {strides = array<i32>} : memref<3x512x64xf32, #tpu.memory_space<vmem>>, vector<1x1x16xf32>,
      %swap3A_457 = arith.constant 2 : i32
      %swap3A_458 = arith.constant 1 : i32
      %swap3A_459 = arith.index_cast %swap3A_457 : i32 to index
      %swap3A_460 = arith.index_cast %swap3A_458 : i32 to index
      %swap3A_461 = arith.constant 48 : index
      %swap3A_462 = tpu.vector_load %arg6[%swap3A_459, %swap3A_460, %swap3A_461] {strides = array<i32>} : memref<3x512x64xf32, #tpu.memory_space<vmem>>, vector<1x1x16xf32>,
      %swap3A_463 = vector.shape_cast %swap3A_462 : vector<1x1x16xf32> to vector<16xf32>
      %swap3A_464 = vector.shape_cast %broadcast_in_dim3A_400 : vector<16xf32> to vector<1x1x16xf32>
      tpu.vector_store %arg6[%swap3A_459, %swap3A_460, %swap3A_461], %swap3A_464 {strides = array<i32>} : memref<3x512x64xf32, #tpu.memory_space<vmem>>, vector<1x1x16xf32>,
      %swap3A_465 = arith.constant 2 : i32
      %swap3A_466 = arith.constant 2 : i32
      %swap3A_467 = arith.index_cast %swap3A_465 : i32 to index
      %swap3A_468 = arith.index_cast %swap3A_466 : i32 to index
      %swap3A_469 = arith.constant 0 : index
      %swap3A_470 = tpu.vector_load %arg6[%swap3A_467, %swap3A_468, %swap3A_469] {strides = array<i32>} : memref<3x512x64xf32, #tpu.memory_space<vmem>>, vector<1x1x16xf32>,
      %swap3A_471 = vector.shape_cast %swap3A_470 : vector<1x1x16xf32> to vector<16xf32>
      %swap3A_472 = vector.shape_cast %broadcast_in_dim3A_400 : vector<16xf32> to vector<1x1x16xf32>
      tpu.vector_store %arg6[%swap3A_467, %swap3A_468, %swap3A_469], %swap3A_472 {strides = array<i32>} : memref<3x512x64xf32, #tpu.memory_space<vmem>>, vector<1x1x16xf32>,
      %swap3A_473 = arith.constant 2 : i32
      %swap3A_474 = arith.constant 2 : i32
      %swap3A_475 = arith.index_cast %swap3A_473 : i32 to index
      %swap3A_476 = arith.index_cast %swap3A_474 : i32 to index
      %swap3A_477 = arith.constant 16 : index
      %swap3A_478 = tpu.vector_load %arg6[%swap3A_475, %swap3A_476, %swap3A_477] {strides = array<i32>} : memref<3x512x64xf32, #tpu.memory_space<vmem>>, vector<1x1x16xf32>,
      %swap3A_479 = vector.shape_cast %swap3A_478 : vector<1x1x16xf32> to vector<16xf32>
      %swap3A_480 = vector.shape_cast %broadcast_in_dim3A_400 : vector<16xf32> to vector<1x1x16xf32>
      tpu.vector_store %arg6[%swap3A_475, %swap3A_476, %swap3A_477], %swap3A_480 {strides = array<i32>} : memref<3x512x64xf32, #tpu.memory_space<vmem>>, vector<1x1x16xf32>,
      %swap3A_481 = arith.constant 2 : i32
      %swap3A_482 = arith.constant 2 : i32
      %swap3A_483 = arith.index_cast %swap3A_481 : i32 to index
      %swap3A_484 = arith.index_cast %swap3A_482 : i32 to index
      %swap3A_485 = arith.constant 32 : index
      %swap3A_486 = tpu.vector_load %arg6[%swap3A_483, %swap3A_484, %swap3A_485] {strides = array<i32>} : memref<3x512x64xf32, #tpu.memory_space<vmem>>, vector<1x1x16xf32>,
      %swap3A_487 = vector.shape_cast %swap3A_486 : vector<1x1x16xf32> to vector<16xf32>
      %swap3A_488 = vector.shape_cast %broadcast_in_dim3A_400 : vector<16xf32> to vector<1x1x16xf32>
      tpu.vector_store %arg6[%swap3A_483, %swap3A_484, %swap3A_485], %swap3A_488 {strides = array<i32>} : memref<3x512x64xf32, #tpu.memory_space<vmem>>, vector<1x1x16xf32>,
      %swap3A_489 = arith.constant 2 : i32
      %swap3A_490 = arith.constant 2 : i32
      %swap3A_491 = arith.index_cast %swap3A_489 : i32 to index
      %swap3A_492 = arith.index_cast %swap3A_490 : i32 to index
      %swap3A_493 = arith.constant 48 : index
      %swap3A_494 = tpu.vector_load %arg6[%swap3A_491, %swap3A_492, %swap3A_493] {strides = array<i32>} : memref<3x512x64xf32, #tpu.memory_space<vmem>>, vector<1x1x16xf32>,
      %swap3A_495 = vector.shape_cast %swap3A_494 : vector<1x1x16xf32> to vector<16xf32>
      %swap3A_496 = vector.shape_cast %broadcast_in_dim3A_400 : vector<16xf32> to vector<1x1x16xf32>
      tpu.vector_store %arg6[%swap3A_491, %swap3A_492, %swap3A_493], %swap3A_496 {strides = array<i32>} : memref<3x512x64xf32, #tpu.memory_space<vmem>>, vector<1x1x16xf32>,
      %add3A_497 = arith.addi %mul3A_2, %add3A_386 : i32
      %dma_start3A_498 = arith.constant 2 : i32
      %dma_start3A_499 = arith.constant 0 : i32
      %dma_start3A_500 = arith.constant 0 : i32
      %dma_start3A_501 = tpu.memref_slice %arg6[%dma_start3A_498, %dma_start3A_499, %dma_start3A_500] : memref<3x512x64xf32, #tpu.memory_space<vmem>> -> memref<1x512x64xf32, #tpu.memory_space<vmem>>
      %dma_start3A_502 = tpu.memref_squeeze %dma_start3A_501 : memref<1x512x64xf32, #tpu.memory_space<vmem>> -> memref<512x64xf32, #tpu.memory_space<vmem>>
      %dma_start3A_503 = arith.constant 0 : i32
      %dma_start3A_504 = arith.constant 0 : i32
      %dma_start3A_505 = tpu.memref_slice %arg4[%add3A_497, %dma_start3A_503, %dma_start3A_504] : memref<1024x512x64xf32, #tpu.memory_space<hbm>> -> memref<1x512x64xf32, #tpu.memory_space<hbm>>
      %dma_start3A_506 = tpu.memref_squeeze %dma_start3A_505 : memref<1x512x64xf32, #tpu.memory_space<hbm>> -> memref<512x64xf32, #tpu.memory_space<hbm>>
      %dma_start3A_507 = arith.constant 0 : i32
      %dma_start3A_508 = arith.constant 0 : i32
      %dma_start3A_509 = tpu.memref_slice %arg4[%add3A_497, %dma_start3A_507, %dma_start3A_508] : memref<1024x512x64xf32, #tpu.memory_space<hbm>> -> memref<1x512x64xf32, #tpu.memory_space<hbm>>
      %dma_start3A_510 = tpu.memref_squeeze %dma_start3A_509 : memref<1x512x64xf32, #tpu.memory_space<hbm>> -> memref<512x64xf32, #tpu.memory_space<hbm>>
      %dma_start3A_511 = arith.constant 0 : i32
      %dma_start3A_512 = arith.constant 0 : i32
      %dma_start3A_513 = tpu.memref_slice %arg6[%dma_start3A_498, %dma_start3A_511, %dma_start3A_512] : memref<3x512x64xf32, #tpu.memory_space<vmem>> -> memref<1x512x64xf32, #tpu.memory_space<vmem>>
      %dma_start3A_514 = tpu.memref_squeeze %dma_start3A_513 : memref<1x512x64xf32, #tpu.memory_space<vmem>> -> memref<512x64xf32, #tpu.memory_space<vmem>>
      tpu.enqueue_dma source(%dma_start3A_514 : memref<512x64xf32, #tpu.memory_space<vmem>>) target(%dma_start3A_510 : memref<512x64xf32, #tpu.memory_space<hbm>>) target_semaphore(%arg12 : memref<!tpu.dma_semaphore, #tpu.memory_space<semaphore_mem>>)
      %add3A_515 = arith.constant 2 : i32
      %add3A_516 = arith.addi %add3A_386, %add3A_515 : i32
      %lt3A = arith.constant 32 : i32
      %lt3A_517 = arith.cmpi slt, %add3A_516, %lt3A : i32
      %convert_element_type3A = arith.extui %lt3A_517 : i1 to i32
      %cond3A = arith.constant 0 : i32
      %cond3A_518 = arith.cmpi ne, %convert_element_type3A, %cond3A : i32
      scf.if %cond3A_518 {
        %dma_wait3A_802 = arith.constant 1 : i32
        %dma_wait3A_803 = arith.constant 0 : i32
        %dma_wait3A_804 = arith.constant 0 : i32
        %dma_wait3A_805 = tpu.memref_slice %arg6[%dma_wait3A_802, %dma_wait3A_803, %dma_wait3A_804] : memref<3x512x64xf32, #tpu.memory_space<vmem>> -> memref<1x512x64xf32, #tpu.memory_space<vmem>>
        %dma_wait3A_806 = tpu.memref_squeeze %dma_wait3A_805 : memref<1x512x64xf32, #tpu.memory_space<vmem>> -> memref<512x64xf32, #tpu.memory_space<vmem>>
        %dma_wait3A_807 = arith.constant 0 : i32
        %dma_wait3A_808 = arith.constant 0 : i32
        %dma_wait3A_809 = tpu.memref_slice %arg4[%mul3A_2, %dma_wait3A_807, %dma_wait3A_808] : memref<1024x512x64xf32, #tpu.memory_space<hbm>> -> memref<1x512x64xf32, #tpu.memory_space<hbm>>
        %dma_wait3A_810 = tpu.memref_squeeze %dma_wait3A_809 : memref<1x512x64xf32, #tpu.memory_space<hbm>> -> memref<512x64xf32, #tpu.memory_space<hbm>>
        %dma_wait3A_811 = arith.constant 0 : i32
        %dma_wait3A_812 = arith.constant 0 : i32
        %dma_wait3A_813 = tpu.memref_slice %arg4[%mul3A_2, %dma_wait3A_811, %dma_wait3A_812] : memref<1024x512x64xf32, #tpu.memory_space<hbm>> -> memref<1x512x64xf32, #tpu.memory_space<hbm>>
        %dma_wait3A_814 = tpu.memref_squeeze %dma_wait3A_813 : memref<1x512x64xf32, #tpu.memory_space<hbm>> -> memref<512x64xf32, #tpu.memory_space<hbm>>
        %dma_wait3A_815 = arith.constant 0 : i32
        %dma_wait3A_816 = arith.constant 0 : i32
        %dma_wait3A_817 = tpu.memref_slice %arg6[%dma_wait3A_802, %dma_wait3A_815, %dma_wait3A_816] : memref<3x512x64xf32, #tpu.memory_space<vmem>> -> memref<1x512x64xf32, #tpu.memory_space<vmem>>
        %dma_wait3A_818 = tpu.memref_squeeze %dma_wait3A_817 : memref<1x512x64xf32, #tpu.memory_space<vmem>> -> memref<512x64xf32, #tpu.memory_space<vmem>>
        tpu.wait_dma2 semaphore(%arg11 : memref<!tpu.dma_semaphore, #tpu.memory_space<semaphore_mem>>) src(%dma_wait3A_818 : memref<512x64xf32, #tpu.memory_space<vmem>>) dst(%dma_wait3A_814 : memref<512x64xf32, #tpu.memory_space<hbm>>)
        %add3A_819 = arith.constant 2 : i32
        %add3A_820 = arith.addi %add3A_386, %add3A_819 : i32
        %dma_start3A_821 = arith.constant 1 : i32
        %dma_start3A_822 = arith.constant 0 : i32
        %dma_start3A_823 = arith.constant 0 : i32
        %dma_start3A_824 = tpu.memref_slice %arg6[%dma_start3A_821, %dma_start3A_822, %dma_start3A_823] : memref<3x512x64xf32, #tpu.memory_space<vmem>> -> memref<1x512x64xf32, #tpu.memory_space<vmem>>
        %dma_start3A_825 = tpu.memref_squeeze %dma_start3A_824 : memref<1x512x64xf32, #tpu.memory_space<vmem>> -> memref<512x64xf32, #tpu.memory_space<vmem>>
        %dma_start3A_826 = arith.constant 0 : i32
        %dma_start3A_827 = tpu.memref_slice %arg5[%add3A_820, %dma_start3A_826] : memref<32x512xi32, #tpu.memory_space<vmem>> -> memref<1x512xi32, #tpu.memory_space<vmem>>
        %dma_start3A_828 = tpu.memref_squeeze %dma_start3A_827 : memref<1x512xi32, #tpu.memory_space<vmem>> -> memref<512xi32, #tpu.memory_space<vmem>>
        %dma_start3A_829 = arith.constant 0 : i32
        %dma_start3A_830 = arith.constant 0 : i32
        %dma_start3A_831 = tpu.memref_slice %arg3[%dma_start3A_829, %dma_start3A_830] : memref<160000x64xf32, #tpu.memory_space<hbm>> -> memref<160000x64xf32, #tpu.memory_space<hbm>>
        tpu.enqueue_indirect_dma source(%dma_start3A_831 : memref<160000x64xf32, #tpu.memory_space<hbm>>) target(%dma_start3A_825 : memref<512x64xf32, #tpu.memory_space<vmem>>) offsets(%dma_start3A_828 : memref<512xi32, #tpu.memory_space<vmem>>) semaphore(%arg8 : memref<!tpu.dma_semaphore, #tpu.memory_space<semaphore_mem>>)
      } else {
      }
      %mul3A_519 = arith.constant 3 : i32
      %mul3A_520 = arith.muli %mul3A_519, %scan3A_379 : i32
      %add3A_521 = arith.constant 2 : i32
      %add3A_522 = arith.addi %mul3A_520, %add3A_521 : i32
      %add3A_523 = arith.constant 1 : i32
      %add3A_524 = arith.addi %add3A_522, %add3A_523 : i32
      %dma_wait3A_525 = arith.constant 0 : i32
      %dma_wait3A_526 = arith.constant 0 : i32
      %dma_wait3A_527 = arith.constant 0 : i32
      %dma_wait3A_528 = arith.constant 0 : i32
      %dma_wait3A_529 = tpu.memref_slice %arg6[%dma_wait3A_526, %dma_wait3A_527, %dma_wait3A_528] : memref<3x512x64xf32, #tpu.memory_space<vmem>> -> memref<1x512x64xf32, #tpu.memory_space<vmem>>
      %dma_wait3A_530 = tpu.memref_squeeze %dma_wait3A_529 : memref<1x512x64xf32, #tpu.memory_space<vmem>> -> memref<512x64xf32, #tpu.memory_space<vmem>>
      %dma_wait3A_531 = arith.constant 0 : i32
      %dma_wait3A_532 = tpu.memref_slice %arg5[%dma_wait3A_525, %dma_wait3A_531] : memref<32x512xi32, #tpu.memory_space<vmem>> -> memref<1x512xi32, #tpu.memory_space<vmem>>
      %dma_wait3A_533 = tpu.memref_squeeze %dma_wait3A_532 : memref<1x512xi32, #tpu.memory_space<vmem>> -> memref<512xi32, #tpu.memory_space<vmem>>
      %dma_wait3A_534 = arith.constant 0 : i32
      %dma_wait3A_535 = arith.constant 0 : i32
      %dma_wait3A_536 = tpu.memref_slice %arg3[%dma_wait3A_534, %dma_wait3A_535] : memref<160000x64xf32, #tpu.memory_space<hbm>> -> memref<160000x64xf32, #tpu.memory_space<hbm>>
      tpu.wait_indirect_dma semaphore(%arg7 : memref<!tpu.dma_semaphore, #tpu.memory_space<semaphore_mem>>) src(%dma_wait3A_536 : memref<160000x64xf32, #tpu.memory_space<hbm>>) dst(%dma_wait3A_530 : memref<512x64xf32, #tpu.memory_space<vmem>>)
      %broadcast_in_dim3A_537 = arith.constant 0.000000e+00 : f32
      %broadcast_in_dim3A_538 = vector.broadcast %broadcast_in_dim3A_537 : f32 to vector<16xf32>
      %swap3A_539 = arith.constant 0 : i32
      %swap3A_540 = arith.constant 0 : i32
      %swap3A_541 = arith.index_cast %swap3A_539 : i32 to index
      %swap3A_542 = arith.index_cast %swap3A_540 : i32 to index
      %swap3A_543 = arith.constant 0 : index
      %swap3A_544 = tpu.vector_load %arg6[%swap3A_541, %swap3A_542, %swap3A_543] {strides = array<i32>} : memref<3x512x64xf32, #tpu.memory_space<vmem>>, vector<1x1x16xf32>,
      %swap3A_545 = vector.shape_cast %swap3A_544 : vector<1x1x16xf32> to vector<16xf32>
      %swap3A_546 = vector.shape_cast %broadcast_in_dim3A_538 : vector<16xf32> to vector<1x1x16xf32>
      tpu.vector_store %arg6[%swap3A_541, %swap3A_542, %swap3A_543], %swap3A_546 {strides = array<i32>} : memref<3x512x64xf32, #tpu.memory_space<vmem>>, vector<1x1x16xf32>,
      %swap3A_547 = arith.constant 0 : i32
      %swap3A_548 = arith.constant 0 : i32
      %swap3A_549 = arith.index_cast %swap3A_547 : i32 to index
      %swap3A_550 = arith.index_cast %swap3A_548 : i32 to index
      %swap3A_551 = arith.constant 16 : index
      %swap3A_552 = tpu.vector_load %arg6[%swap3A_549, %swap3A_550, %swap3A_551] {strides = array<i32>} : memref<3x512x64xf32, #tpu.memory_space<vmem>>, vector<1x1x16xf32>,
      %swap3A_553 = vector.shape_cast %swap3A_552 : vector<1x1x16xf32> to vector<16xf32>
      %swap3A_554 = vector.shape_cast %broadcast_in_dim3A_538 : vector<16xf32> to vector<1x1x16xf32>
      tpu.vector_store %arg6[%swap3A_549, %swap3A_550, %swap3A_551], %swap3A_554 {strides = array<i32>} : memref<3x512x64xf32, #tpu.memory_space<vmem>>, vector<1x1x16xf32>,
      %swap3A_555 = arith.constant 0 : i32
      %swap3A_556 = arith.constant 0 : i32
      %swap3A_557 = arith.index_cast %swap3A_555 : i32 to index
      %swap3A_558 = arith.index_cast %swap3A_556 : i32 to index
      %swap3A_559 = arith.constant 32 : index
      %swap3A_560 = tpu.vector_load %arg6[%swap3A_557, %swap3A_558, %swap3A_559] {strides = array<i32>} : memref<3x512x64xf32, #tpu.memory_space<vmem>>, vector<1x1x16xf32>,
      %swap3A_561 = vector.shape_cast %swap3A_560 : vector<1x1x16xf32> to vector<16xf32>
      %swap3A_562 = vector.shape_cast %broadcast_in_dim3A_538 : vector<16xf32> to vector<1x1x16xf32>
      tpu.vector_store %arg6[%swap3A_557, %swap3A_558, %swap3A_559], %swap3A_562 {strides = array<i32>} : memref<3x512x64xf32, #tpu.memory_space<vmem>>, vector<1x1x16xf32>,
      %swap3A_563 = arith.constant 0 : i32
      %swap3A_564 = arith.constant 0 : i32
      %swap3A_565 = arith.index_cast %swap3A_563 : i32 to index
      %swap3A_566 = arith.index_cast %swap3A_564 : i32 to index
      %swap3A_567 = arith.constant 48 : index
      %swap3A_568 = tpu.vector_load %arg6[%swap3A_565, %swap3A_566, %swap3A_567] {strides = array<i32>} : memref<3x512x64xf32, #tpu.memory_space<vmem>>, vector<1x1x16xf32>,
      %swap3A_569 = vector.shape_cast %swap3A_568 : vector<1x1x16xf32> to vector<16xf32>
      %swap3A_570 = vector.shape_cast %broadcast_in_dim3A_538 : vector<16xf32> to vector<1x1x16xf32>
      tpu.vector_store %arg6[%swap3A_565, %swap3A_566, %swap3A_567], %swap3A_570 {strides = array<i32>} : memref<3x512x64xf32, #tpu.memory_space<vmem>>, vector<1x1x16xf32>,
      %swap3A_571 = arith.constant 0 : i32
      %swap3A_572 = arith.constant 1 : i32
      %swap3A_573 = arith.index_cast %swap3A_571 : i32 to index
      %swap3A_574 = arith.index_cast %swap3A_572 : i32 to index
      %swap3A_575 = arith.constant 0 : index
      %swap3A_576 = tpu.vector_load %arg6[%swap3A_573, %swap3A_574, %swap3A_575] {strides = array<i32>} : memref<3x512x64xf32, #tpu.memory_space<vmem>>, vector<1x1x16xf32>,
      %swap3A_577 = vector.shape_cast %swap3A_576 : vector<1x1x16xf32> to vector<16xf32>
      %swap3A_578 = vector.shape_cast %broadcast_in_dim3A_538 : vector<16xf32> to vector<1x1x16xf32>
      tpu.vector_store %arg6[%swap3A_573, %swap3A_574, %swap3A_575], %swap3A_578 {strides = array<i32>} : memref<3x512x64xf32, #tpu.memory_space<vmem>>, vector<1x1x16xf32>,
      %swap3A_579 = arith.constant 0 : i32
      %swap3A_580 = arith.constant 1 : i32
      %swap3A_581 = arith.index_cast %swap3A_579 : i32 to index
      %swap3A_582 = arith.index_cast %swap3A_580 : i32 to index
      %swap3A_583 = arith.constant 16 : index
      %swap3A_584 = tpu.vector_load %arg6[%swap3A_581, %swap3A_582, %swap3A_583] {strides = array<i32>} : memref<3x512x64xf32, #tpu.memory_space<vmem>>, vector<1x1x16xf32>,
      %swap3A_585 = vector.shape_cast %swap3A_584 : vector<1x1x16xf32> to vector<16xf32>
      %swap3A_586 = vector.shape_cast %broadcast_in_dim3A_538 : vector<16xf32> to vector<1x1x16xf32>
      tpu.vector_store %arg6[%swap3A_581, %swap3A_582, %swap3A_583], %swap3A_586 {strides = array<i32>} : memref<3x512x64xf32, #tpu.memory_space<vmem>>, vector<1x1x16xf32>,
      %swap3A_587 = arith.constant 0 : i32
      %swap3A_588 = arith.constant 1 : i32
      %swap3A_589 = arith.index_cast %swap3A_587 : i32 to index
      %swap3A_590 = arith.index_cast %swap3A_588 : i32 to index
      %swap3A_591 = arith.constant 32 : index
      %swap3A_592 = tpu.vector_load %arg6[%swap3A_589, %swap3A_590, %swap3A_591] {strides = array<i32>} : memref<3x512x64xf32, #tpu.memory_space<vmem>>, vector<1x1x16xf32>,
      %swap3A_593 = vector.shape_cast %swap3A_592 : vector<1x1x16xf32> to vector<16xf32>
      %swap3A_594 = vector.shape_cast %broadcast_in_dim3A_538 : vector<16xf32> to vector<1x1x16xf32>
      tpu.vector_store %arg6[%swap3A_589, %swap3A_590, %swap3A_591], %swap3A_594 {strides = array<i32>} : memref<3x512x64xf32, #tpu.memory_space<vmem>>, vector<1x1x16xf32>,
      %swap3A_595 = arith.constant 0 : i32
      %swap3A_596 = arith.constant 1 : i32
      %swap3A_597 = arith.index_cast %swap3A_595 : i32 to index
      %swap3A_598 = arith.index_cast %swap3A_596 : i32 to index
      %swap3A_599 = arith.constant 48 : index
      %swap3A_600 = tpu.vector_load %arg6[%swap3A_597, %swap3A_598, %swap3A_599] {strides = array<i32>} : memref<3x512x64xf32, #tpu.memory_space<vmem>>, vector<1x1x16xf32>,
      %swap3A_601 = vector.shape_cast %swap3A_600 : vector<1x1x16xf32> to vector<16xf32>
      %swap3A_602 = vector.shape_cast %broadcast_in_dim3A_538 : vector<16xf32> to vector<1x1x16xf32>
      tpu.vector_store %arg6[%swap3A_597, %swap3A_598, %swap3A_599], %swap3A_602 {strides = array<i32>} : memref<3x512x64xf32, #tpu.memory_space<vmem>>, vector<1x1x16xf32>,
      %swap3A_603 = arith.constant 0 : i32
      %swap3A_604 = arith.constant 2 : i32
      %swap3A_605 = arith.index_cast %swap3A_603 : i32 to index
      %swap3A_606 = arith.index_cast %swap3A_604 : i32 to index
      %swap3A_607 = arith.constant 0 : index
      %swap3A_608 = tpu.vector_load %arg6[%swap3A_605, %swap3A_606, %swap3A_607] {strides = array<i32>} : memref<3x512x64xf32, #tpu.memory_space<vmem>>, vector<1x1x16xf32>,
      %swap3A_609 = vector.shape_cast %swap3A_608 : vector<1x1x16xf32> to vector<16xf32>
      %swap3A_610 = vector.shape_cast %broadcast_in_dim3A_538 : vector<16xf32> to vector<1x1x16xf32>
      tpu.vector_store %arg6[%swap3A_605, %swap3A_606, %swap3A_607], %swap3A_610 {strides = array<i32>} : memref<3x512x64xf32, #tpu.memory_space<vmem>>, vector<1x1x16xf32>,
      %swap3A_611 = arith.constant 0 : i32
      %swap3A_612 = arith.constant 2 : i32
      %swap3A_613 = arith.index_cast %swap3A_611 : i32 to index
      %swap3A_614 = arith.index_cast %swap3A_612 : i32 to index
      %swap3A_615 = arith.constant 16 : index
      %swap3A_616 = tpu.vector_load %arg6[%swap3A_613, %swap3A_614, %swap3A_615] {strides = array<i32>} : memref<3x512x64xf32, #tpu.memory_space<vmem>>, vector<1x1x16xf32>,
      %swap3A_617 = vector.shape_cast %swap3A_616 : vector<1x1x16xf32> to vector<16xf32>
      %swap3A_618 = vector.shape_cast %broadcast_in_dim3A_538 : vector<16xf32> to vector<1x1x16xf32>
      tpu.vector_store %arg6[%swap3A_613, %swap3A_614, %swap3A_615], %swap3A_618 {strides = array<i32>} : memref<3x512x64xf32, #tpu.memory_space<vmem>>, vector<1x1x16xf32>,
      %swap3A_619 = arith.constant 0 : i32
      %swap3A_620 = arith.constant 2 : i32
      %swap3A_621 = arith.index_cast %swap3A_619 : i32 to index
      %swap3A_622 = arith.index_cast %swap3A_620 : i32 to index
      %swap3A_623 = arith.constant 32 : index
      %swap3A_624 = tpu.vector_load %arg6[%swap3A_621, %swap3A_622, %swap3A_623] {strides = array<i32>} : memref<3x512x64xf32, #tpu.memory_space<vmem>>, vector<1x1x16xf32>,
      %swap3A_625 = vector.shape_cast %swap3A_624 : vector<1x1x16xf32> to vector<16xf32>
      %swap3A_626 = vector.shape_cast %broadcast_in_dim3A_538 : vector<16xf32> to vector<1x1x16xf32>
      tpu.vector_store %arg6[%swap3A_621, %swap3A_622, %swap3A_623], %swap3A_626 {strides = array<i32>} : memref<3x512x64xf32, #tpu.memory_space<vmem>>, vector<1x1x16xf32>,
      %swap3A_627 = arith.constant 0 : i32
      %swap3A_628 = arith.constant 2 : i32
      %swap3A_629 = arith.index_cast %swap3A_627 : i32 to index
      %swap3A_630 = arith.index_cast %swap3A_628 : i32 to index
      %swap3A_631 = arith.constant 48 : index
      %swap3A_632 = tpu.vector_load %arg6[%swap3A_629, %swap3A_630, %swap3A_631] {strides = array<i32>} : memref<3x512x64xf32, #tpu.memory_space<vmem>>, vector<1x1x16xf32>,
      %swap3A_633 = vector.shape_cast %swap3A_632 : vector<1x1x16xf32> to vector<16xf32>
      %swap3A_634 = vector.shape_cast %broadcast_in_dim3A_538 : vector<16xf32> to vector<1x1x16xf32>
      tpu.vector_store %arg6[%swap3A_629, %swap3A_630, %swap3A_631], %swap3A_634 {strides = array<i32>} : memref<3x512x64xf32, #tpu.memory_space<vmem>>, vector<1x1x16xf32>,
      %add3A_635 = arith.addi %mul3A_2, %add3A_524 : i32
      %dma_start3A_636 = arith.constant 0 : i32
      %dma_start3A_637 = arith.constant 0 : i32
      %dma_start3A_638 = arith.constant 0 : i32
      %dma_start3A_639 = tpu.memref_slice %arg6[%dma_start3A_636, %dma_start3A_637, %dma_start3A_638] : memref<3x512x64xf32, #tpu.memory_space<vmem>> -> memref<1x512x64xf32, #tpu.memory_space<vmem>>
      %dma_start3A_640 = tpu.memref_squeeze %dma_start3A_639 : memref<1x512x64xf32, #tpu.memory_space<vmem>> -> memref<512x64xf32, #tpu.memory_space<vmem>>
      %dma_start3A_641 = arith.constant 0 : i32
      %dma_start3A_642 = arith.constant 0 : i32
      %dma_start3A_643 = tpu.memref_slice %arg4[%add3A_635, %dma_start3A_641, %dma_start3A_642] : memref<1024x512x64xf32, #tpu.memory_space<hbm>> -> memref<1x512x64xf32, #tpu.memory_space<hbm>>
      %dma_start3A_644 = tpu.memref_squeeze %dma_start3A_643 : memref<1x512x64xf32, #tpu.memory_space<hbm>> -> memref<512x64xf32, #tpu.memory_space<hbm>>
      %dma_start3A_645 = arith.constant 0 : i32
      %dma_start3A_646 = arith.constant 0 : i32
      %dma_start3A_647 = tpu.memref_slice %arg4[%add3A_635, %dma_start3A_645, %dma_start3A_646] : memref<1024x512x64xf32, #tpu.memory_space<hbm>> -> memref<1x512x64xf32, #tpu.memory_space<hbm>>
      %dma_start3A_648 = tpu.memref_squeeze %dma_start3A_647 : memref<1x512x64xf32, #tpu.memory_space<hbm>> -> memref<512x64xf32, #tpu.memory_space<hbm>>
      %dma_start3A_649 = arith.constant 0 : i32
      %dma_start3A_650 = arith.constant 0 : i32
      %dma_start3A_651 = tpu.memref_slice %arg6[%dma_start3A_636, %dma_start3A_649, %dma_start3A_650] : memref<3x512x64xf32, #tpu.memory_space<vmem>> -> memref<1x512x64xf32, #tpu.memory_space<vmem>>
      %dma_start3A_652 = tpu.memref_squeeze %dma_start3A_651 : memref<1x512x64xf32, #tpu.memory_space<vmem>> -> memref<512x64xf32, #tpu.memory_space<vmem>>
      tpu.enqueue_dma source(%dma_start3A_652 : memref<512x64xf32, #tpu.memory_space<vmem>>) target(%dma_start3A_648 : memref<512x64xf32, #tpu.memory_space<hbm>>) target_semaphore(%arg10 : memref<!tpu.dma_semaphore, #tpu.memory_space<semaphore_mem>>)
      %add3A_653 = arith.constant 2 : i32
      %add3A_654 = arith.addi %add3A_524, %add3A_653 : i32
      %lt3A_655 = arith.constant 32 : i32
      %lt3A_656 = arith.cmpi slt, %add3A_654, %lt3A_655 : i32
      %convert_element_type3A_657 = arith.extui %lt3A_656 : i1 to i32
      %cond3A_658 = arith.constant 0 : i32
      %cond3A_659 = arith.cmpi ne, %convert_element_type3A_657, %cond3A_658 : i32
      scf.if %cond3A_659 {
        %dma_wait3A_802 = arith.constant 2 : i32
        %dma_wait3A_803 = arith.constant 0 : i32
        %dma_wait3A_804 = arith.constant 0 : i32
        %dma_wait3A_805 = tpu.memref_slice %arg6[%dma_wait3A_802, %dma_wait3A_803, %dma_wait3A_804] : memref<3x512x64xf32, #tpu.memory_space<vmem>> -> memref<1x512x64xf32, #tpu.memory_space<vmem>>
        %dma_wait3A_806 = tpu.memref_squeeze %dma_wait3A_805 : memref<1x512x64xf32, #tpu.memory_space<vmem>> -> memref<512x64xf32, #tpu.memory_space<vmem>>
        %dma_wait3A_807 = arith.constant 0 : i32
        %dma_wait3A_808 = arith.constant 0 : i32
        %dma_wait3A_809 = tpu.memref_slice %arg4[%mul3A_2, %dma_wait3A_807, %dma_wait3A_808] : memref<1024x512x64xf32, #tpu.memory_space<hbm>> -> memref<1x512x64xf32, #tpu.memory_space<hbm>>
        %dma_wait3A_810 = tpu.memref_squeeze %dma_wait3A_809 : memref<1x512x64xf32, #tpu.memory_space<hbm>> -> memref<512x64xf32, #tpu.memory_space<hbm>>
        %dma_wait3A_811 = arith.constant 0 : i32
        %dma_wait3A_812 = arith.constant 0 : i32
        %dma_wait3A_813 = tpu.memref_slice %arg4[%mul3A_2, %dma_wait3A_811, %dma_wait3A_812] : memref<1024x512x64xf32, #tpu.memory_space<hbm>> -> memref<1x512x64xf32, #tpu.memory_space<hbm>>
        %dma_wait3A_814 = tpu.memref_squeeze %dma_wait3A_813 : memref<1x512x64xf32, #tpu.memory_space<hbm>> -> memref<512x64xf32, #tpu.memory_space<hbm>>
        %dma_wait3A_815 = arith.constant 0 : i32
        %dma_wait3A_816 = arith.constant 0 : i32
        %dma_wait3A_817 = tpu.memref_slice %arg6[%dma_wait3A_802, %dma_wait3A_815, %dma_wait3A_816] : memref<3x512x64xf32, #tpu.memory_space<vmem>> -> memref<1x512x64xf32, #tpu.memory_space<vmem>>
        %dma_wait3A_818 = tpu.memref_squeeze %dma_wait3A_817 : memref<1x512x64xf32, #tpu.memory_space<vmem>> -> memref<512x64xf32, #tpu.memory_space<vmem>>
        tpu.wait_dma2 semaphore(%arg12 : memref<!tpu.dma_semaphore, #tpu.memory_space<semaphore_mem>>) src(%dma_wait3A_818 : memref<512x64xf32, #tpu.memory_space<vmem>>) dst(%dma_wait3A_814 : memref<512x64xf32, #tpu.memory_space<hbm>>)
        %add3A_819 = arith.constant 2 : i32
        %add3A_820 = arith.addi %add3A_524, %add3A_819 : i32
        %dma_start3A_821 = arith.constant 2 : i32
        %dma_start3A_822 = arith.constant 0 : i32
        %dma_start3A_823 = arith.constant 0 : i32
        %dma_start3A_824 = tpu.memref_slice %arg6[%dma_start3A_821, %dma_start3A_822, %dma_start3A_823] : memref<3x512x64xf32, #tpu.memory_space<vmem>> -> memref<1x512x64xf32, #tpu.memory_space<vmem>>
        %dma_start3A_825 = tpu.memref_squeeze %dma_start3A_824 : memref<1x512x64xf32, #tpu.memory_space<vmem>> -> memref<512x64xf32, #tpu.memory_space<vmem>>
        %dma_start3A_826 = arith.constant 0 : i32
        %dma_start3A_827 = tpu.memref_slice %arg5[%add3A_820, %dma_start3A_826] : memref<32x512xi32, #tpu.memory_space<vmem>> -> memref<1x512xi32, #tpu.memory_space<vmem>>
        %dma_start3A_828 = tpu.memref_squeeze %dma_start3A_827 : memref<1x512xi32, #tpu.memory_space<vmem>> -> memref<512xi32, #tpu.memory_space<vmem>>
        %dma_start3A_829 = arith.constant 0 : i32
        %dma_start3A_830 = arith.constant 0 : i32
        %dma_start3A_831 = tpu.memref_slice %arg3[%dma_start3A_829, %dma_start3A_830] : memref<160000x64xf32, #tpu.memory_space<hbm>> -> memref<160000x64xf32, #tpu.memory_space<hbm>>
        tpu.enqueue_indirect_dma source(%dma_start3A_831 : memref<160000x64xf32, #tpu.memory_space<hbm>>) target(%dma_start3A_825 : memref<512x64xf32, #tpu.memory_space<vmem>>) offsets(%dma_start3A_828 : memref<512xi32, #tpu.memory_space<vmem>>) semaphore(%arg9 : memref<!tpu.dma_semaphore, #tpu.memory_space<semaphore_mem>>)
      } else {
      }
      %mul3A_660 = arith.constant 3 : i32
      %mul3A_661 = arith.muli %mul3A_660, %scan3A_379 : i32
      %add3A_662 = arith.constant 2 : i32
      %add3A_663 = arith.addi %mul3A_661, %add3A_662 : i32
      %add3A_664 = arith.constant 2 : i32
      %add3A_665 = arith.addi %add3A_663, %add3A_664 : i32
      %dma_wait3A_666 = arith.constant 0 : i32
      %dma_wait3A_667 = arith.constant 1 : i32
      %dma_wait3A_668 = arith.constant 0 : i32
      %dma_wait3A_669 = arith.constant 0 : i32
      %dma_wait3A_670 = tpu.memref_slice %arg6[%dma_wait3A_667, %dma_wait3A_668, %dma_wait3A_669] : memref<3x512x64xf32, #tpu.memory_space<vmem>> -> memref<1x512x64xf32, #tpu.memory_space<vmem>>
      %dma_wait3A_671 = tpu.memref_squeeze %dma_wait3A_670 : memref<1x512x64xf32, #tpu.memory_space<vmem>> -> memref<512x64xf32, #tpu.memory_space<vmem>>
      %dma_wait3A_672 = arith.constant 0 : i32
      %dma_wait3A_673 = tpu.memref_slice %arg5[%dma_wait3A_666, %dma_wait3A_672] : memref<32x512xi32, #tpu.memory_space<vmem>> -> memref<1x512xi32, #tpu.memory_space<vmem>>
      %dma_wait3A_674 = tpu.memref_squeeze %dma_wait3A_673 : memref<1x512xi32, #tpu.memory_space<vmem>> -> memref<512xi32, #tpu.memory_space<vmem>>
      %dma_wait3A_675 = arith.constant 0 : i32
      %dma_wait3A_676 = arith.constant 0 : i32
      %dma_wait3A_677 = tpu.memref_slice %arg3[%dma_wait3A_675, %dma_wait3A_676] : memref<160000x64xf32, #tpu.memory_space<hbm>> -> memref<160000x64xf32, #tpu.memory_space<hbm>>
      tpu.wait_indirect_dma semaphore(%arg8 : memref<!tpu.dma_semaphore, #tpu.memory_space<semaphore_mem>>) src(%dma_wait3A_677 : memref<160000x64xf32, #tpu.memory_space<hbm>>) dst(%dma_wait3A_671 : memref<512x64xf32, #tpu.memory_space<vmem>>)
      %broadcast_in_dim3A_678 = arith.constant 0.000000e+00 : f32
      %broadcast_in_dim3A_679 = vector.broadcast %broadcast_in_dim3A_678 : f32 to vector<16xf32>
      %swap3A_680 = arith.constant 1 : i32
      %swap3A_681 = arith.constant 0 : i32
      %swap3A_682 = arith.index_cast %swap3A_680 : i32 to index
      %swap3A_683 = arith.index_cast %swap3A_681 : i32 to index
      %swap3A_684 = arith.constant 0 : index
      %swap3A_685 = tpu.vector_load %arg6[%swap3A_682, %swap3A_683, %swap3A_684] {strides = array<i32>} : memref<3x512x64xf32, #tpu.memory_space<vmem>>, vector<1x1x16xf32>,
      %swap3A_686 = vector.shape_cast %swap3A_685 : vector<1x1x16xf32> to vector<16xf32>
      %swap3A_687 = vector.shape_cast %broadcast_in_dim3A_679 : vector<16xf32> to vector<1x1x16xf32>
      tpu.vector_store %arg6[%swap3A_682, %swap3A_683, %swap3A_684], %swap3A_687 {strides = array<i32>} : memref<3x512x64xf32, #tpu.memory_space<vmem>>, vector<1x1x16xf32>,
      %swap3A_688 = arith.constant 1 : i32
      %swap3A_689 = arith.constant 0 : i32
      %swap3A_690 = arith.index_cast %swap3A_688 : i32 to index
      %swap3A_691 = arith.index_cast %swap3A_689 : i32 to index
      %swap3A_692 = arith.constant 16 : index
      %swap3A_693 = tpu.vector_load %arg6[%swap3A_690, %swap3A_691, %swap3A_692] {strides = array<i32>} : memref<3x512x64xf32, #tpu.memory_space<vmem>>, vector<1x1x16xf32>,
      %swap3A_694 = vector.shape_cast %swap3A_693 : vector<1x1x16xf32> to vector<16xf32>
      %swap3A_695 = vector.shape_cast %broadcast_in_dim3A_679 : vector<16xf32> to vector<1x1x16xf32>
      tpu.vector_store %arg6[%swap3A_690, %swap3A_691, %swap3A_692], %swap3A_695 {strides = array<i32>} : memref<3x512x64xf32, #tpu.memory_space<vmem>>, vector<1x1x16xf32>,
      %swap3A_696 = arith.constant 1 : i32
      %swap3A_697 = arith.constant 0 : i32
      %swap3A_698 = arith.index_cast %swap3A_696 : i32 to index
      %swap3A_699 = arith.index_cast %swap3A_697 : i32 to index
      %swap3A_700 = arith.constant 32 : index
      %swap3A_701 = tpu.vector_load %arg6[%swap3A_698, %swap3A_699, %swap3A_700] {strides = array<i32>} : memref<3x512x64xf32, #tpu.memory_space<vmem>>, vector<1x1x16xf32>,
      %swap3A_702 = vector.shape_cast %swap3A_701 : vector<1x1x16xf32> to vector<16xf32>
      %swap3A_703 = vector.shape_cast %broadcast_in_dim3A_679 : vector<16xf32> to vector<1x1x16xf32>
      tpu.vector_store %arg6[%swap3A_698, %swap3A_699, %swap3A_700], %swap3A_703 {strides = array<i32>} : memref<3x512x64xf32, #tpu.memory_space<vmem>>, vector<1x1x16xf32>,
      %swap3A_704 = arith.constant 1 : i32
      %swap3A_705 = arith.constant 0 : i32
      %swap3A_706 = arith.index_cast %swap3A_704 : i32 to index
      %swap3A_707 = arith.index_cast %swap3A_705 : i32 to index
      %swap3A_708 = arith.constant 48 : index
      %swap3A_709 = tpu.vector_load %arg6[%swap3A_706, %swap3A_707, %swap3A_708] {strides = array<i32>} : memref<3x512x64xf32, #tpu.memory_space<vmem>>, vector<1x1x16xf32>,
      %swap3A_710 = vector.shape_cast %swap3A_709 : vector<1x1x16xf32> to vector<16xf32>
      %swap3A_711 = vector.shape_cast %broadcast_in_dim3A_679 : vector<16xf32> to vector<1x1x16xf32>
      tpu.vector_store %arg6[%swap3A_706, %swap3A_707, %swap3A_708], %swap3A_711 {strides = array<i32>} : memref<3x512x64xf32, #tpu.memory_space<vmem>>, vector<1x1x16xf32>,
      %swap3A_712 = arith.constant 1 : i32
      %swap3A_713 = arith.constant 1 : i32
      %swap3A_714 = arith.index_cast %swap3A_712 : i32 to index
      %swap3A_715 = arith.index_cast %swap3A_713 : i32 to index
      %swap3A_716 = arith.constant 0 : index
      %swap3A_717 = tpu.vector_load %arg6[%swap3A_714, %swap3A_715, %swap3A_716] {strides = array<i32>} : memref<3x512x64xf32, #tpu.memory_space<vmem>>, vector<1x1x16xf32>,
      %swap3A_718 = vector.shape_cast %swap3A_717 : vector<1x1x16xf32> to vector<16xf32>
      %swap3A_719 = vector.shape_cast %broadcast_in_dim3A_679 : vector<16xf32> to vector<1x1x16xf32>
      tpu.vector_store %arg6[%swap3A_714, %swap3A_715, %swap3A_716], %swap3A_719 {strides = array<i32>} : memref<3x512x64xf32, #tpu.memory_space<vmem>>, vector<1x1x16xf32>,
      %swap3A_720 = arith.constant 1 : i32
      %swap3A_721 = arith.constant 1 : i32
      %swap3A_722 = arith.index_cast %swap3A_720 : i32 to index
      %swap3A_723 = arith.index_cast %swap3A_721 : i32 to index
      %swap3A_724 = arith.constant 16 : index
      %swap3A_725 = tpu.vector_load %arg6[%swap3A_722, %swap3A_723, %swap3A_724] {strides = array<i32>} : memref<3x512x64xf32, #tpu.memory_space<vmem>>, vector<1x1x16xf32>,
      %swap3A_726 = vector.shape_cast %swap3A_725 : vector<1x1x16xf32> to vector<16xf32>
      %swap3A_727 = vector.shape_cast %broadcast_in_dim3A_679 : vector<16xf32> to vector<1x1x16xf32>
      tpu.vector_store %arg6[%swap3A_722, %swap3A_723, %swap3A_724], %swap3A_727 {strides = array<i32>} : memref<3x512x64xf32, #tpu.memory_space<vmem>>, vector<1x1x16xf32>,
      %swap3A_728 = arith.constant 1 : i32
      %swap3A_729 = arith.constant 1 : i32
      %swap3A_730 = arith.index_cast %swap3A_728 : i32 to index
      %swap3A_731 = arith.index_cast %swap3A_729 : i32 to index
      %swap3A_732 = arith.constant 32 : index
      %swap3A_733 = tpu.vector_load %arg6[%swap3A_730, %swap3A_731, %swap3A_732] {strides = array<i32>} : memref<3x512x64xf32, #tpu.memory_space<vmem>>, vector<1x1x16xf32>,
      %swap3A_734 = vector.shape_cast %swap3A_733 : vector<1x1x16xf32> to vector<16xf32>
      %swap3A_735 = vector.shape_cast %broadcast_in_dim3A_679 : vector<16xf32> to vector<1x1x16xf32>
      tpu.vector_store %arg6[%swap3A_730, %swap3A_731, %swap3A_732], %swap3A_735 {strides = array<i32>} : memref<3x512x64xf32, #tpu.memory_space<vmem>>, vector<1x1x16xf32>,
      %swap3A_736 = arith.constant 1 : i32
      %swap3A_737 = arith.constant 1 : i32
      %swap3A_738 = arith.index_cast %swap3A_736 : i32 to index
      %swap3A_739 = arith.index_cast %swap3A_737 : i32 to index
      %swap3A_740 = arith.constant 48 : index
      %swap3A_741 = tpu.vector_load %arg6[%swap3A_738, %swap3A_739, %swap3A_740] {strides = array<i32>} : memref<3x512x64xf32, #tpu.memory_space<vmem>>, vector<1x1x16xf32>,
      %swap3A_742 = vector.shape_cast %swap3A_741 : vector<1x1x16xf32> to vector<16xf32>
      %swap3A_743 = vector.shape_cast %broadcast_in_dim3A_679 : vector<16xf32> to vector<1x1x16xf32>
      tpu.vector_store %arg6[%swap3A_738, %swap3A_739, %swap3A_740], %swap3A_743 {strides = array<i32>} : memref<3x512x64xf32, #tpu.memory_space<vmem>>, vector<1x1x16xf32>,
      %swap3A_744 = arith.constant 1 : i32
      %swap3A_745 = arith.constant 2 : i32
      %swap3A_746 = arith.index_cast %swap3A_744 : i32 to index
      %swap3A_747 = arith.index_cast %swap3A_745 : i32 to index
      %swap3A_748 = arith.constant 0 : index
      %swap3A_749 = tpu.vector_load %arg6[%swap3A_746, %swap3A_747, %swap3A_748] {strides = array<i32>} : memref<3x512x64xf32, #tpu.memory_space<vmem>>, vector<1x1x16xf32>,
      %swap3A_750 = vector.shape_cast %swap3A_749 : vector<1x1x16xf32> to vector<16xf32>
      %swap3A_751 = vector.shape_cast %broadcast_in_dim3A_679 : vector<16xf32> to vector<1x1x16xf32>
      tpu.vector_store %arg6[%swap3A_746, %swap3A_747, %swap3A_748], %swap3A_751 {strides = array<i32>} : memref<3x512x64xf32, #tpu.memory_space<vmem>>, vector<1x1x16xf32>,
      %swap3A_752 = arith.constant 1 : i32
      %swap3A_753 = arith.constant 2 : i32
      %swap3A_754 = arith.index_cast %swap3A_752 : i32 to index
      %swap3A_755 = arith.index_cast %swap3A_753 : i32 to index
      %swap3A_756 = arith.constant 16 : index
      %swap3A_757 = tpu.vector_load %arg6[%swap3A_754, %swap3A_755, %swap3A_756] {strides = array<i32>} : memref<3x512x64xf32, #tpu.memory_space<vmem>>, vector<1x1x16xf32>,
      %swap3A_758 = vector.shape_cast %swap3A_757 : vector<1x1x16xf32> to vector<16xf32>
      %swap3A_759 = vector.shape_cast %broadcast_in_dim3A_679 : vector<16xf32> to vector<1x1x16xf32>
      tpu.vector_store %arg6[%swap3A_754, %swap3A_755, %swap3A_756], %swap3A_759 {strides = array<i32>} : memref<3x512x64xf32, #tpu.memory_space<vmem>>, vector<1x1x16xf32>,
      %swap3A_760 = arith.constant 1 : i32
      %swap3A_761 = arith.constant 2 : i32
      %swap3A_762 = arith.index_cast %swap3A_760 : i32 to index
      %swap3A_763 = arith.index_cast %swap3A_761 : i32 to index
      %swap3A_764 = arith.constant 32 : index
      %swap3A_765 = tpu.vector_load %arg6[%swap3A_762, %swap3A_763, %swap3A_764] {strides = array<i32>} : memref<3x512x64xf32, #tpu.memory_space<vmem>>, vector<1x1x16xf32>,
      %swap3A_766 = vector.shape_cast %swap3A_765 : vector<1x1x16xf32> to vector<16xf32>
      %swap3A_767 = vector.shape_cast %broadcast_in_dim3A_679 : vector<16xf32> to vector<1x1x16xf32>
      tpu.vector_store %arg6[%swap3A_762, %swap3A_763, %swap3A_764], %swap3A_767 {strides = array<i32>} : memref<3x512x64xf32, #tpu.memory_space<vmem>>, vector<1x1x16xf32>,
      %swap3A_768 = arith.constant 1 : i32
      %swap3A_769 = arith.constant 2 : i32
      %swap3A_770 = arith.index_cast %swap3A_768 : i32 to index
      %swap3A_771 = arith.index_cast %swap3A_769 : i32 to index
      %swap3A_772 = arith.constant 48 : index
      %swap3A_773 = tpu.vector_load %arg6[%swap3A_770, %swap3A_771, %swap3A_772] {strides = array<i32>} : memref<3x512x64xf32, #tpu.memory_space<vmem>>, vector<1x1x16xf32>,
      %swap3A_774 = vector.shape_cast %swap3A_773 : vector<1x1x16xf32> to vector<16xf32>
      %swap3A_775 = vector.shape_cast %broadcast_in_dim3A_679 : vector<16xf32> to vector<1x1x16xf32>
      tpu.vector_store %arg6[%swap3A_770, %swap3A_771, %swap3A_772], %swap3A_775 {strides = array<i32>} : memref<3x512x64xf32, #tpu.memory_space<vmem>>, vector<1x1x16xf32>,
      %add3A_776 = arith.addi %mul3A_2, %add3A_665 : i32
      %dma_start3A_777 = arith.constant 1 : i32
      %dma_start3A_778 = arith.constant 0 : i32
      %dma_start3A_779 = arith.constant 0 : i32
      %dma_start3A_780 = tpu.memref_slice %arg6[%dma_start3A_777, %dma_start3A_778, %dma_start3A_779] : memref<3x512x64xf32, #tpu.memory_space<vmem>> -> memref<1x512x64xf32, #tpu.memory_space<vmem>>
      %dma_start3A_781 = tpu.memref_squeeze %dma_start3A_780 : memref<1x512x64xf32, #tpu.memory_space<vmem>> -> memref<512x64xf32, #tpu.memory_space<vmem>>
      %dma_start3A_782 = arith.constant 0 : i32
      %dma_start3A_783 = arith.constant 0 : i32
      %dma_start3A_784 = tpu.memref_slice %arg4[%add3A_776, %dma_start3A_782, %dma_start3A_783] : memref<1024x512x64xf32, #tpu.memory_space<hbm>> -> memref<1x512x64xf32, #tpu.memory_space<hbm>>
      %dma_start3A_785 = tpu.memref_squeeze %dma_start3A_784 : memref<1x512x64xf32, #tpu.memory_space<hbm>> -> memref<512x64xf32, #tpu.memory_space<hbm>>
      %dma_start3A_786 = arith.constant 0 : i32
      %dma_start3A_787 = arith.constant 0 : i32
      %dma_start3A_788 = tpu.memref_slice %arg4[%add3A_776, %dma_start3A_786, %dma_start3A_787] : memref<1024x512x64xf32, #tpu.memory_space<hbm>> -> memref<1x512x64xf32, #tpu.memory_space<hbm>>
      %dma_start3A_789 = tpu.memref_squeeze %dma_start3A_788 : memref<1x512x64xf32, #tpu.memory_space<hbm>> -> memref<512x64xf32, #tpu.memory_space<hbm>>
      %dma_start3A_790 = arith.constant 0 : i32
      %dma_start3A_791 = arith.constant 0 : i32
      %dma_start3A_792 = tpu.memref_slice %arg6[%dma_start3A_777, %dma_start3A_790, %dma_start3A_791] : memref<3x512x64xf32, #tpu.memory_space<vmem>> -> memref<1x512x64xf32, #tpu.memory_space<vmem>>
      %dma_start3A_793 = tpu.memref_squeeze %dma_start3A_792 : memref<1x512x64xf32, #tpu.memory_space<vmem>> -> memref<512x64xf32, #tpu.memory_space<vmem>>
      tpu.enqueue_dma source(%dma_start3A_793 : memref<512x64xf32, #tpu.memory_space<vmem>>) target(%dma_start3A_789 : memref<512x64xf32, #tpu.memory_space<hbm>>) target_semaphore(%arg11 : memref<!tpu.dma_semaphore, #tpu.memory_space<semaphore_mem>>)
      %add3A_794 = arith.constant 2 : i32
      %add3A_795 = arith.addi %add3A_665, %add3A_794 : i32
      %lt3A_796 = arith.constant 32 : i32
      %lt3A_797 = arith.cmpi slt, %add3A_795, %lt3A_796 : i32
      %convert_element_type3A_798 = arith.extui %lt3A_797 : i1 to i32
      %cond3A_799 = arith.constant 0 : i32
      %cond3A_800 = arith.cmpi ne, %convert_element_type3A_798, %cond3A_799 : i32
      scf.if %cond3A_800 {
        %dma_wait3A_802 = arith.constant 0 : i32
        %dma_wait3A_803 = arith.constant 0 : i32
        %dma_wait3A_804 = arith.constant 0 : i32
        %dma_wait3A_805 = tpu.memref_slice %arg6[%dma_wait3A_802, %dma_wait3A_803, %dma_wait3A_804] : memref<3x512x64xf32, #tpu.memory_space<vmem>> -> memref<1x512x64xf32, #tpu.memory_space<vmem>>
        %dma_wait3A_806 = tpu.memref_squeeze %dma_wait3A_805 : memref<1x512x64xf32, #tpu.memory_space<vmem>> -> memref<512x64xf32, #tpu.memory_space<vmem>>
        %dma_wait3A_807 = arith.constant 0 : i32
        %dma_wait3A_808 = arith.constant 0 : i32
        %dma_wait3A_809 = tpu.memref_slice %arg4[%mul3A_2, %dma_wait3A_807, %dma_wait3A_808] : memref<1024x512x64xf32, #tpu.memory_space<hbm>> -> memref<1x512x64xf32, #tpu.memory_space<hbm>>
        %dma_wait3A_810 = tpu.memref_squeeze %dma_wait3A_809 : memref<1x512x64xf32, #tpu.memory_space<hbm>> -> memref<512x64xf32, #tpu.memory_space<hbm>>
        %dma_wait3A_811 = arith.constant 0 : i32
        %dma_wait3A_812 = arith.constant 0 : i32
        %dma_wait3A_813 = tpu.memref_slice %arg4[%mul3A_2, %dma_wait3A_811, %dma_wait3A_812] : memref<1024x512x64xf32, #tpu.memory_space<hbm>> -> memref<1x512x64xf32, #tpu.memory_space<hbm>>
        %dma_wait3A_814 = tpu.memref_squeeze %dma_wait3A_813 : memref<1x512x64xf32, #tpu.memory_space<hbm>> -> memref<512x64xf32, #tpu.memory_space<hbm>>
        %dma_wait3A_815 = arith.constant 0 : i32
        %dma_wait3A_816 = arith.constant 0 : i32
        %dma_wait3A_817 = tpu.memref_slice %arg6[%dma_wait3A_802, %dma_wait3A_815, %dma_wait3A_816] : memref<3x512x64xf32, #tpu.memory_space<vmem>> -> memref<1x512x64xf32, #tpu.memory_space<vmem>>
        %dma_wait3A_818 = tpu.memref_squeeze %dma_wait3A_817 : memref<1x512x64xf32, #tpu.memory_space<vmem>> -> memref<512x64xf32, #tpu.memory_space<vmem>>
        tpu.wait_dma2 semaphore(%arg10 : memref<!tpu.dma_semaphore, #tpu.memory_space<semaphore_mem>>) src(%dma_wait3A_818 : memref<512x64xf32, #tpu.memory_space<vmem>>) dst(%dma_wait3A_814 : memref<512x64xf32, #tpu.memory_space<hbm>>)
        %add3A_819 = arith.constant 2 : i32
        %add3A_820 = arith.addi %add3A_665, %add3A_819 : i32
        %dma_start3A_821 = arith.constant 0 : i32
        %dma_start3A_822 = arith.constant 0 : i32
        %dma_start3A_823 = arith.constant 0 : i32
        %dma_start3A_824 = tpu.memref_slice %arg6[%dma_start3A_821, %dma_start3A_822, %dma_start3A_823] : memref<3x512x64xf32, #tpu.memory_space<vmem>> -> memref<1x512x64xf32, #tpu.memory_space<vmem>>
        %dma_start3A_825 = tpu.memref_squeeze %dma_start3A_824 : memref<1x512x64xf32, #tpu.memory_space<vmem>> -> memref<512x64xf32, #tpu.memory_space<vmem>>
        %dma_start3A_826 = arith.constant 0 : i32
        %dma_start3A_827 = tpu.memref_slice %arg5[%add3A_820, %dma_start3A_826] : memref<32x512xi32, #tpu.memory_space<vmem>> -> memref<1x512xi32, #tpu.memory_space<vmem>>
        %dma_start3A_828 = tpu.memref_squeeze %dma_start3A_827 : memref<1x512xi32, #tpu.memory_space<vmem>> -> memref<512xi32, #tpu.memory_space<vmem>>
        %dma_start3A_829 = arith.constant 0 : i32
        %dma_start3A_830 = arith.constant 0 : i32
        %dma_start3A_831 = tpu.memref_slice %arg3[%dma_start3A_829, %dma_start3A_830] : memref<160000x64xf32, #tpu.memory_space<hbm>> -> memref<160000x64xf32, #tpu.memory_space<hbm>>
        tpu.enqueue_indirect_dma source(%dma_start3A_831 : memref<160000x64xf32, #tpu.memory_space<hbm>>) target(%dma_start3A_825 : memref<512x64xf32, #tpu.memory_space<vmem>>) offsets(%dma_start3A_828 : memref<512xi32, #tpu.memory_space<vmem>>) semaphore(%arg7 : memref<!tpu.dma_semaphore, #tpu.memory_space<semaphore_mem>>)
      } else {
      }
      %scan3A_801 = arith.constant 0 : i32
      scf.yield %scan3A_801 : i32
    }
    %scan3A_327 = arith.constant 10 : i32
    %dma_wait3A_328 = arith.constant 2 : i32
    %dma_wait3A_329 = arith.constant 0 : i32
    %dma_wait3A_330 = arith.constant 0 : i32
    %dma_wait3A_331 = tpu.memref_slice %arg6[%dma_wait3A_328, %dma_wait3A_329, %dma_wait3A_330] : memref<3x512x64xf32, #tpu.memory_space<vmem>> -> memref<1x512x64xf32, #tpu.memory_space<vmem>>
    %dma_wait3A_332 = tpu.memref_squeeze %dma_wait3A_331 : memref<1x512x64xf32, #tpu.memory_space<vmem>> -> memref<512x64xf32, #tpu.memory_space<vmem>>
    %dma_wait3A_333 = arith.constant 0 : i32
    %dma_wait3A_334 = arith.constant 0 : i32
    %dma_wait3A_335 = tpu.memref_slice %arg4[%mul3A_2, %dma_wait3A_333, %dma_wait3A_334] : memref<1024x512x64xf32, #tpu.memory_space<hbm>> -> memref<1x512x64xf32, #tpu.memory_space<hbm>>
    %dma_wait3A_336 = tpu.memref_squeeze %dma_wait3A_335 : memref<1x512x64xf32, #tpu.memory_space<hbm>> -> memref<512x64xf32, #tpu.memory_space<hbm>>
    %dma_wait3A_337 = arith.constant 0 : i32
    %dma_wait3A_338 = arith.constant 0 : i32
    %dma_wait3A_339 = tpu.memref_slice %arg4[%mul3A_2, %dma_wait3A_337, %dma_wait3A_338] : memref<1024x512x64xf32, #tpu.memory_space<hbm>> -> memref<1x512x64xf32, #tpu.memory_space<hbm>>
    %dma_wait3A_340 = tpu.memref_squeeze %dma_wait3A_339 : memref<1x512x64xf32, #tpu.memory_space<hbm>> -> memref<512x64xf32, #tpu.memory_space<hbm>>
    %dma_wait3A_341 = arith.constant 0 : i32
    %dma_wait3A_342 = arith.constant 0 : i32
    %dma_wait3A_343 = tpu.memref_slice %arg6[%dma_wait3A_328, %dma_wait3A_341, %dma_wait3A_342] : memref<3x512x64xf32, #tpu.memory_space<vmem>> -> memref<1x512x64xf32, #tpu.memory_space<vmem>>
    %dma_wait3A_344 = tpu.memref_squeeze %dma_wait3A_343 : memref<1x512x64xf32, #tpu.memory_space<vmem>> -> memref<512x64xf32, #tpu.memory_space<vmem>>
    tpu.wait_dma2 semaphore(%arg12 : memref<!tpu.dma_semaphore, #tpu.memory_space<semaphore_mem>>) src(%dma_wait3A_344 : memref<512x64xf32, #tpu.memory_space<vmem>>) dst(%dma_wait3A_340 : memref<512x64xf32, #tpu.memory_space<hbm>>)
    %dma_wait3A_345 = arith.constant 0 : i32
    %dma_wait3A_346 = arith.constant 0 : i32
    %dma_wait3A_347 = arith.constant 0 : i32
    %dma_wait3A_348 = tpu.memref_slice %arg6[%dma_wait3A_345, %dma_wait3A_346, %dma_wait3A_347] : memref<3x512x64xf32, #tpu.memory_space<vmem>> -> memref<1x512x64xf32, #tpu.memory_space<vmem>>
    %dma_wait3A_349 = tpu.memref_squeeze %dma_wait3A_348 : memref<1x512x64xf32, #tpu.memory_space<vmem>> -> memref<512x64xf32, #tpu.memory_space<vmem>>
    %dma_wait3A_350 = arith.constant 0 : i32
    %dma_wait3A_351 = arith.constant 0 : i32
    %dma_wait3A_352 = tpu.memref_slice %arg4[%mul3A_2, %dma_wait3A_350, %dma_wait3A_351] : memref<1024x512x64xf32, #tpu.memory_space<hbm>> -> memref<1x512x64xf32, #tpu.memory_space<hbm>>
    %dma_wait3A_353 = tpu.memref_squeeze %dma_wait3A_352 : memref<1x512x64xf32, #tpu.memory_space<hbm>> -> memref<512x64xf32, #tpu.memory_space<hbm>>
    %dma_wait3A_354 = arith.constant 0 : i32
    %dma_wait3A_355 = arith.constant 0 : i32
    %dma_wait3A_356 = tpu.memref_slice %arg4[%mul3A_2, %dma_wait3A_354, %dma_wait3A_355] : memref<1024x512x64xf32, #tpu.memory_space<hbm>> -> memref<1x512x64xf32, #tpu.memory_space<hbm>>
    %dma_wait3A_357 = tpu.memref_squeeze %dma_wait3A_356 : memref<1x512x64xf32, #tpu.memory_space<hbm>> -> memref<512x64xf32, #tpu.memory_space<hbm>>
    %dma_wait3A_358 = arith.constant 0 : i32
    %dma_wait3A_359 = arith.constant 0 : i32
    %dma_wait3A_360 = tpu.memref_slice %arg6[%dma_wait3A_345, %dma_wait3A_358, %dma_wait3A_359] : memref<3x512x64xf32, #tpu.memory_space<vmem>> -> memref<1x512x64xf32, #tpu.memory_space<vmem>>
    %dma_wait3A_361 = tpu.memref_squeeze %dma_wait3A_360 : memref<1x512x64xf32, #tpu.memory_space<vmem>> -> memref<512x64xf32, #tpu.memory_space<vmem>>
    tpu.wait_dma2 semaphore(%arg10 : memref<!tpu.dma_semaphore, #tpu.memory_space<semaphore_mem>>) src(%dma_wait3A_361 : memref<512x64xf32, #tpu.memory_space<vmem>>) dst(%dma_wait3A_357 : memref<512x64xf32, #tpu.memory_space<hbm>>)
    %dma_wait3A_362 = arith.constant 1 : i32
    %dma_wait3A_363 = arith.constant 0 : i32
    %dma_wait3A_364 = arith.constant 0 : i32
    %dma_wait3A_365 = tpu.memref_slice %arg6[%dma_wait3A_362, %dma_wait3A_363, %dma_wait3A_364] : memref<3x512x64xf32, #tpu.memory_space<vmem>> -> memref<1x512x64xf32, #tpu.memory_space<vmem>>
    %dma_wait3A_366 = tpu.memref_squeeze %dma_wait3A_365 : memref<1x512x64xf32, #tpu.memory_space<vmem>> -> memref<512x64xf32, #tpu.memory_space<vmem>>
    %dma_wait3A_367 = arith.constant 0 : i32
    %dma_wait3A_368 = arith.constant 0 : i32
    %dma_wait3A_369 = tpu.memref_slice %arg4[%mul3A_2, %dma_wait3A_367, %dma_wait3A_368] : memref<1024x512x64xf32, #tpu.memory_space<hbm>> -> memref<1x512x64xf32, #tpu.memory_space<hbm>>
    %dma_wait3A_370 = tpu.memref_squeeze %dma_wait3A_369 : memref<1x512x64xf32, #tpu.memory_space<hbm>> -> memref<512x64xf32, #tpu.memory_space<hbm>>
    %dma_wait3A_371 = arith.constant 0 : i32
    %dma_wait3A_372 = arith.constant 0 : i32
    %dma_wait3A_373 = tpu.memref_slice %arg4[%mul3A_2, %dma_wait3A_371, %dma_wait3A_372] : memref<1024x512x64xf32, #tpu.memory_space<hbm>> -> memref<1x512x64xf32, #tpu.memory_space<hbm>>
    %dma_wait3A_374 = tpu.memref_squeeze %dma_wait3A_373 : memref<1x512x64xf32, #tpu.memory_space<hbm>> -> memref<512x64xf32, #tpu.memory_space<hbm>>
    %dma_wait3A_375 = arith.constant 0 : i32
    %dma_wait3A_376 = arith.constant 0 : i32
    %dma_wait3A_377 = tpu.memref_slice %arg6[%dma_wait3A_362, %dma_wait3A_375, %dma_wait3A_376] : memref<3x512x64xf32, #tpu.memory_space<vmem>> -> memref<1x512x64xf32, #tpu.memory_space<vmem>>
    %dma_wait3A_378 = tpu.memref_squeeze %dma_wait3A_377 : memref<1x512x64xf32, #tpu.memory_space<vmem>> -> memref<512x64xf32, #tpu.memory_space<vmem>>
    tpu.wait_dma2 semaphore(%arg11 : memref<!tpu.dma_semaphore, #tpu.memory_space<semaphore_mem>>) src(%dma_wait3A_378 : memref<512x64xf32, #tpu.memory_space<vmem>>) dst(%dma_wait3A_374 : memref<512x64xf32, #tpu.memory_space<hbm>>)
    return
  }
}

</mosaic_0001>

<sc_bundles>
// kernel: _encode.3.cloned.1.call-start
scs
__scs_entry_jumppad:
0x0: {  	(pc) =	sbr.rel $0x88, $3  }
0x1: {  	(tag) =	ssettag $0x0;
	lr =	simm.s32 $0x1  }
0x2: {  	[smem:$0x3F9F] =	sst lr;
	_ =	strace $0xD0000000  }
0x3: {  	_ = 	snop  }
0x4: {  	_ = 	snop  }
0x5: {  	_ = 	snop  }
0x6: {  	_ = 	snop  }
0x7: {  	_ = 	snop  }
__scs_overlays_trampoline_lowered:
0x8: {  	[smem:$0x3FAE] =	sst s0  }
0x9: {  	[smem:$0x3FAF] =	sst s1  }
0xa: {  	[smem:$0x3FB0] =	sst s2  }
0xb: {  	[smem:$0x3FB1] =	sst s3  }
0xc: {  	[smem:$0x3FB2] =	sst s4  }
0xd: {  	[smem:$0x3FB3] =	sst s5  }
0xe: {  	[smem:$0x3FB4] =	sst s6  }
0xf: {  	[smem:$0x3FB5] =	sst s7  }
0x10: {  	[smem:$0x3FB6] =	sst s8  }
0x11: {  	[smem:$0x3FB7] =	sst s9;
	s0 =	simm.s32 @!p0 $0x0  }
0x12: {  	s1 =	sld [smem:$0x3F9D];
	s0 =	simm.s32 @p0 $0x1  }
0x13: {  	[smem:$0x3FB8] =	sst s0;
	s0 =	simm.s32 @!p1 $0x0  }
0x14: {  	s2 =	sld [smem:$0x3F9C];
	s0 =	simm.s32 @p1 $0x1  }
0x15: {  	[smem:$0x3FB9] =	sst s0;
	s0 =	simm.s32 @!p2 $0x0  }
0x16: {  	s3 =	sld [smem:$0x3FDB];
	s0 =	simm.s32 @p2 $0x1  }
0x17: {  	s4 =	simm.s32 $0x1BF5;
	[smem:$0x3FBB] =	sst s0  }
0x18: {  	s0 =	sld [smem:$0x3F9E];
	_ =	swait.ge [sflag:s4], $0x0  }
0x19: {  	s7 =	sld [smem:$0x3F9F]  }
0x1a: {  	s8 =	sadd.s32 $0xFFFFE003, lr  }
0x1b: {  	s9 =	sadd.s32 $0xFFFFFEF7, lr;
	s5 =	simm.s32 $0xFFFFFFFF;
	p2 =	slt.u32 s8, $0xFFFFF086  }
0x1c: {  	p1 =	slt.u32 s9, $0xF7A;
	s5 =	simm.s32 @!p2 $0x0  }
0x1d: {  	s5 =	simm.s32 @p1 $0x1;
	p0 =	seq.s32 s7, s2  }
0x1e: {  	s7 =	smul.u32 @!p0 $0xF7A, s2;
	p2 =	seq.s32 @!p0 s5, $0x0  }
0x1f: {  	s9 =	smul.u32 $0xF7A, s1;
	s8 =	simm.s32 @!p0 $0x1BF5;
	p2 =	por !p2, p0  }
0x20: {  	[sflag:s8] =	ssyncset.s32 @!p0 $0xFFFFF086;
	s6 =	sadd.s32 @!p0 s3, s7;
	s7 =	simm.s32 @!p0 $0x108  }
0x21: {  	s3 =	sadd.s32 s3, s9;
	s6 =	sadd.s32 @!p0 $0x88, s6;
	s7 =	simm.s32 @p2 $0x1082  }
0x22: {  	[simem:s7], [sflag:s8] =	dma.local @!p0 [hbm:s6], $0xF7A  }
0x23: {  	s9 =	sor.u32 $0xD0000000, s2;
	s6 =	simm.s32 $0x108;
	_ =	swait.ge @!p0 [sflag:s8], $0x0  }
0x24: {  	s3 =	sadd.s32 $0x88, s3;
	s6 =	simm.s32 @!p1 $0x1082;
	[sflag:s4] =	ssyncset.s32 $0xFFFFF086  }
0x25: {  	[simem:s6], [sflag:s4] =	dma.local [hbm:s3], $0xF7A  }
0x26: {  	[smem:$0x3F9F] =	sst s1;
	(tag) =	ssettag s2;
	_ =	strace s9  }
0x27: {  	s1 =	sld [smem:$0x3FAF]  }
0x28: {  	s2 =	sld [smem:$0x3FB0]  }
0x29: {  	s4 =	sld [smem:$0x3FB2]  }
0x2a: {  	p0 =	seq.s32 s5, $0x0;
	s5 =	sld [smem:$0x3FB3]  }
0x2b: {  	s6 =	sld [smem:$0x3FB4]  }
0x2c: {  	s7 =	sld [smem:$0x3FB5]  }
0x2d: {  	s3 =	simm.s32 $0x108;
	s8 =	sld [smem:$0x3FB6]  }
0x2e: {  	s3 =	simm.s32 @!p0 $0x1082;
	s9 =	sld [smem:$0x3FB7]  }
0x2f: {  	lr =	sadd.s32 s0, s3;
	s0 =	sld [smem:$0x3FAE]  }
0x30: {  	s3 =	sld [smem:$0x3FB1]  }
0x31: {  	[smem:$0x3FBA] =	sst s10  }
0x32: {  	s10 =	sld [smem:$0x3FB8];
	_ =	sdelay $0x3  }
0x33: {  	p0 =	seq.s32 s10, $0x1;
	s10 =	sld [smem:$0x3FBA];
	_ =	sdelay $0x3  }
0x34: {  	[smem:$0x3FBA] =	sst s10  }
0x35: {  	s10 =	sld [smem:$0x3FB9];
	_ =	sdelay $0x3  }
0x36: {  	p1 =	seq.s32 s10, $0x1;
	s10 =	sld [smem:$0x3FBA];
	_ =	sdelay $0x3  }
0x37: {  	[smem:$0x3FBA] =	sst s10  }
0x38: {  	s10 =	sld [smem:$0x3FBB]  }
0x39: {  	_ = 	snop;
	(pc) =	sbr.ind lr, $3  }
0x3a: {  	_ = 	snop  }
0x3b: {  	_ = 	snop  }
0x3c: {  	p2 =	seq.s32 s10, $0x1;
	s10 =	sld [smem:$0x3FBA]  }
0x3d: {  	_ =	shalt  }
0x3e: {  	_ =	shalt  }
0x3f: {  	_ =	shalt  }
0x40: {  	_ =	shalt  }
0x41: {  	_ =	shalt  }
0x42: {  	_ =	shalt  }
0x43: {  	_ =	shalt  }
0x44: {  	_ =	shalt  }
0x45: {  	_ =	shalt  }
0x46: {  	_ =	shalt  }
0x47: {  	_ =	shalt  }
0x48: {  	_ =	shalt  }
0x49: {  	_ =	shalt  }
0x4a: {  	_ =	shalt  }
0x4b: {  	_ =	shalt  }
0x4c: {  	_ =	shalt  }
0x4d: {  	_ =	shalt  }
0x4e: {  	_ =	shalt  }
0x4f: {  	_ =	shalt  }
0x50: {  	_ =	shalt  }
0x51: {  	_ =	shalt  }
0x52: {  	_ =	shalt  }
0x53: {  	_ =	shalt  }
0x54: {  	_ =	shalt  }
0x55: {  	_ =	shalt  }
0x56: {  	_ =	shalt  }
0x57: {  	_ =	shalt  }
0x58: {  	_ =	shalt  }
0x59: {  	_ =	shalt  }
0x5a: {  	_ =	shalt  }
0x5b: {  	_ =	shalt  }
0x5c: {  	_ =	shalt  }
0x5d: {  	_ =	shalt  }
0x5e: {  	_ =	shalt  }
0x5f: {  	_ =	shalt  }
0x60: {  	_ =	shalt  }
0x61: {  	_ =	shalt  }
0x62: {  	_ =	shalt  }
0x63: {  	_ =	shalt  }
0x64: {  	_ =	shalt  }
0x65: {  	_ =	shalt  }
0x66: {  	_ =	shalt  }
0x67: {  	_ =	shalt  }
0x68: {  	_ =	shalt  }
0x69: {  	_ =	shalt  }
0x6a: {  	_ =	shalt  }
0x6b: {  	_ =	shalt  }
0x6c: {  	_ =	shalt  }
0x6d: {  	_ =	shalt  }
0x6e: {  	_ =	shalt  }
0x6f: {  	_ =	shalt  }
0x70: {  	_ =	shalt  }
0x71: {  	_ =	shalt  }
0x72: {  	_ =	shalt  }
0x73: {  	_ =	shalt  }
0x74: {  	_ =	shalt  }
0x75: {  	_ =	shalt  }
0x76: {  	_ =	shalt  }
0x77: {  	_ =	shalt  }
0x78: {  	_ =	shalt  }
0x79: {  	_ =	shalt  }
0x7a: {  	_ =	shalt  }
0x7b: {  	_ =	shalt  }
0x7c: {  	_ =	shalt  }
0x7d: {  	_ =	shalt  }
0x7e: {  	_ =	shalt  }
0x7f: {  	_ =	shalt  }
0x80: {  	_ =	shalt  }
0x81: {  	_ =	shalt  }
0x82: {  	_ =	shalt  }
0x83: {  	_ =	shalt  }
0x84: {  	_ =	shalt  }
0x85: {  	_ =	shalt  }
0x86: {  	_ =	shalt  }
0x87: {  	_ =	shalt  }
.Lfunc_end0:
.L_simem_size_0:
called_computation.1_lowered:
.L_overlay_start_0:
0x88: {  	s2 =	sld [smem:$0x3FD9]  }
0x89: {  	s3 =	sld [smem:$0x3FFE];
	_ =	sdelay $0x1  }
0x8a: {  	s1 =	srdreg.scid  }
0x8b: {  	s0 =	sand.u32 $0x1, s1  }
0x8c: {  	s17 =	sshll.u32 s0, $0xA;
	s2 =	sadd.s32 s3, s2  }
0x8d: {  	s2 =	sadd.s32 s2, s17  }
0x8e: {  	[smem:$0x3FC6] =	sst s2  }
0x8f: {  	_ = 	snop  }
0x90: {  	s2 =	sld [smem:$0x3FD0];
	(tm) =	ssettm $0x1  }
0x91: {  	s18 =	sld [smem:$0x3FFB];
	_ =	sdelay $0x3  }
0x92: {  	_ =	strace s18  }
0x93: {  	s3 =	sld [smem:$0x3FFC];
	_ =	sdelay $0x3  }
0x94: {  	_ =	strace s3  }
0x95: {  	s3 =	sld [smem:$0x3FFD];
	_ =	sdelay $0x3  }
0x96: {  	_ =	strace s3  }
0x97: {  	_ =	strace $0x8FFFFFFF  }
0x98: {  	s19 =	sld [smem:$0x3FDB];
	_ =	sdelay $0x1  }
0x99: {  	s4 =	simm.s32 $_scs_section_size  }
0x9a: {  	s5 =	simm.s32 $_size__tile_overlayer_lowered;
	s6 =	simm.s32 $_tile_overlayer_lowered  }
0x9b: {  	s22 =	simm.s32 $0x1BFF;
	s21 =	sshll.u32 s6, $0x1;
	s3 =	sadd.s32 s4, s19  }
0x9c: {  	s7 =	simm.s32 $0x0;
	s20 =	sshll.u32 s5, $0x1;
	s5 =	sadd.s32 s21, s3  }
0x9d: {  	[timem:s7], [sflag:s22] =	dma.local [hbm:s5], s20  }
0x9e: {  	_ =	swait.ge [sflag:s22], s20  }
0x9f: {  	s4 =	ssub.s32 $0x0, s20;
	[sflag:s22] =	ssyncset.done $0x0  }
0xa0: {  	[sflag:s22] =	ssyncadd.s32 s4;
	_ =	sdelay $0x1  }
0xa1: {  	s23 =	simm.s32 $0x1B8B  }
0xa2: {  	_ =	swait.ge [sflag:s23], $0x1  }
0xa3: {  	[sflag:s23] =	ssyncset.done $0x0  }
0xa4: {  	s25 =	simm.s32 $0x1B8E;
	s24 =	sld [smem:$0x3FFE];
	[sflag:s23] =	ssyncadd.s32 $0xFFFFFFFF  }
0xa5: {  	s26 =	simm.s32 $execute0_lowered;
	[smem:$0x3FD2] =	sst s25  }
0xa6: {  	s5 =	sshll.u32 s26, $0x1;
	_ =	strace $0x80000046;
	[dreg:$0x1] =	wrdreg $0xFFFFFFFF  }
0xa7: {  	s28 =	simm.s32 $_size_execute0_lowered;
	s3 =	sadd.s32 s3, s5;
	[dreg:$0x0] =	wrdreg $0x0  }
0xa8: {  	s5 =	sshll.u32 s28, $0x1;
	[dreg:$0x2] =	wrdreg s3  }
0xa9: {  	[dreg:$0x3] =	wrdreg s5  }
0xaa: {  	[dreg:$0x4] =	wrdreg $0xC0  }
0xab: {  	_ =	task [dreg:s7], $0x5FFFF  }
0xac: {  	[dreg:$0x1] =	wrdreg $0xFFFFFFFF  }
0xad: {  	[dreg:$0x0] =	wrdreg $0x60  }
0xae: {  	[dreg:$0x2] =	wrdreg s24  }
0xaf: {  	[dreg:$0x3] =	wrdreg s2  }
0xb0: {  	[dreg:$0x4] =	wrdreg $0x9  }
0xb1: {  	_ =	task.clear_ibuf [dreg:s7], $0x5FFFF;
	_ =	strace $0x90000046  }
0xb2: {  	s29 =	simm.s32 $0x9;
	_ =	strace $0x80000048  }
0xb3: {  	_ =	swait.ge [sflag:s29], $0x1  }
0xb4: {  	[sflag:s29] =	ssyncadd.s32 $0xFFFFFFFF  }
0xb5: {  	_ =	strace $0x90000048  }
0xb6: {  	_ =	sfence  }
0xb7: {  	s30 =	sld [smem:$0x0];
	_ =	sdelay $0x2  }
0xb8: {  	s31 =	sshll.u32 s1, $0xD;
	s1 =	sshrl.u32 s1, $0x2  }
0xb9: {  	s3 =	sand.u32 $0x4000, s31;
	s1 =	sadd.s32 s1, s30  }
0xba: {  	s0 =	sor.u32 s3, s0;
	s1 =	sshll.u32 s1, $0x11  }
0xbb: {  	s0 =	sor.u32 s1, s0  }
0xbc: {  	s0 =	sadd.s32 $0x8F2B, s0  }
0xbd: {  	[sflag:s0] =	ssyncadd.remote.s32 $0x1  }
0xbe: {  	_ =	sfence.sel $0xFFFF  }
0xbf: {  	[dreg:$0x0] =	wrdreg $0xFFFFFFFF;
	(pc) =	sbr.abs _section_cstart, $3  }
0xc0: {  	[dreg:$0x1] =	wrdreg $0xFFFFFFFF  }
0xc1: {  	_ =	task.clear_ibuf [dreg:s7], $0x2FFFF;
	_ =	strace $0x9FFFFFFF  }
0xc2: {  	(tm) =	ssettm $0x7FFFFFFF  }
0xc3: {  	_ =	shalt  }
tec
execute0_lowered:
.L_overlay_start_1:
0x0: {  	(tag) =	ssettag $0x1  }
0x1: {  	s3 =	rddreg [dreg:$0x0]  }
0x2: {  	s6 =	rddreg [dreg:$0x1]  }
0x3: {  	s2 =	srdreg.scid;
	s0 =	rddreg [dreg:$0x2]  }
0x4: {  	s1 =	stileid.u32;
	s11 =	simm.s32 $0x4000;
	s12 =	simm.s32 $0xC000  }
0x5: {  	s13 =	simm.s32 $0x1;
	s14 =	simm.s32 $0x400;
	s15 =	simm.s32 $0x14000  }
0x6: {  	s16 =	simm.s32 $0x2;
	s17 =	simm.s32 $0x4;
	s18 =	simm.s32 $0x600  }
0x7: {  	s19 =	simm.s32 $0x3;
	s20 =	simm.s32 $0x5;
	s21 =	simm.s32 $0x6  }
0x8: {  	s22 =	simm.s32 $0x0;
	s7 =	sand.u32 $0x1, s2;
	s2 =	simm.s32 $0x0  }
0x9: {  	s4 =	sshll.u32 s1, $0x6;
	s31 =	sshll.u32 s1, $0x12;
	s5 =	sshll.u32 s7, $0x5  }
0xa: {  	[smem:$0x7FF] =	sst s2;
	s30 =	ssub.s32 $0x2, s7;
	s10 =	sshll.u32 s7, $0x11  }
0xb: {  	s5 =	sor.u32 s5, s4;
	_ =	strace $0x80000047;
	s9 =	sshrl.u32 s30, $0x1  }
.Ltmp0:
0xc: {  	s8 =	sshll.u32 s5, $0x6;
	s9 =	ssub.s32 s30, s9;
	(pc) =	sbr.rel .LBB2_1-.Ltmp0, $4  }
0xd: {  	s5 =	sshll.u32 s5, $0xC;
	s8 =	sadd.s32 s8, s3;
	s3 =	sadd.s32 $0x10800, s3  }
0xe: {  	s5 =	sadd.s32 s6, s5;
	s4 =	sadd.s32 $0x800, s8;
	s8 =	sadd.s32 s31, s6  }
0xf: {  	s7 =	smax.u32 s9, $0x1;
	s9 =	simm.s32 $0x7;
	s8 =	sadd.s32 s10, s8  }
0x10: {  	v0 =	vimm.f32 $0.0e+00;
	s6 =	sadd.s32 $0x1000, s5;
	s10 =	simm.s32 $0x200;
	s8 =	sadd.s32 $0x2000, s8  }
.LBB2_4:
0x11: {  	_ =	swait.ge [sflag:s21], $0x8000  }
0x12: {  	[sflag:s21] =	ssyncset.done $0x0  }
0x13: {  	s22 =	sadd.s32 $0x1, s22;
	[sflag:s21] =	ssyncadd.s32 $0xFFFF8000  }
0x14: {  	p0 =	sne.s32 s22, s7;
	_ =	swait.ge [sflag:s17], $0x8000  }
.Ltmp1:
0x15: {  	[sflag:s17] =	ssyncset.done $0x0;
	(pc) =	sbr.rel @!p0 .LBB2_5-.Ltmp1, $4  }
0x16: {  	[sflag:s17] =	ssyncadd.s32 $0xFFFF8000  }
0x17: {  	_ =	swait.ge [sflag:s20], $0x8000  }
0x18: {  	[sflag:s20] =	ssyncset.done $0x0  }
0x19: {  	[sflag:s20] =	ssyncadd.s32 $0xFFFF8000  }
.LBB2_1:
0x1a: {  	[tilespmem:s2], [sflag:$0x7] =	stream.linear.gather [hbm4b:s4+s2], $0x4000, $0x38;
	[tilespmem:$0x1C000] =	vst v63  }
0x1b: {  	_ =	swait.ge [sflag:s9], $0x4000  }
0x1c: {  	[sflag:s9] =	ssyncset.done $0x0  }
0x1d: {  	[sflag:s9] =	ssyncadd.s32 $0xFFFFC000  }
0x1e: {  	[tilespmem:s11], [sflag:$0x1] =	stream.indirect.gather [hbm4b:s3+s10], $0x40, s2, s10, $0xb8;
	[tilespmem:$0x1C000] =	vst v63  }
0x1f: {  	_ = 	snop  }
0x20: {  	[tilespmem:s12], [sflag:$0x2] =	stream.indirect.gather [hbm4b:s3+s10], $0x40, s10, s10, $0xb8;
	[tilespmem:$0x1C000] =	vst v63  }
0x21: {  	_ =	swait.ge [sflag:s13], $0x8000  }
0x22: {  	[sflag:s13] =	ssyncset.done $0x0  }
0x23: {  	[sflag:s13] =	ssyncadd.s32 $0xFFFF8000  }
0x24: {  	[tilespmem:$0x4000] =	vst v0  }
0x25: {  	[tilespmem:$0x4010] =	vst v0  }
0x26: {  	[tilespmem:$0x4020] =	vst v0  }
0x27: {  	[tilespmem:$0x4030] =	vst v0  }
0x28: {  	[tilespmem:$0x4040] =	vst v0  }
0x29: {  	[tilespmem:$0x4050] =	vst v0  }
0x2a: {  	[tilespmem:$0x4060] =	vst v0  }
0x2b: {  	[tilespmem:$0x4070] =	vst v0  }
0x2c: {  	[tilespmem:$0x4080] =	vst v0  }
0x2d: {  	[tilespmem:$0x4090] =	vst v0  }
0x2e: {  	[tilespmem:$0x40A0] =	vst v0  }
0x2f: {  	[tilespmem:$0x40B0] =	vst v0  }
0x30: {  	[hbm4b:s5+s2] =	stream.linear.scatter [tilespmem:s11], [sflag:$0x4], $0x8000, $0x38;
	[tilespmem:$0x1C000] =	vst v63  }
0x31: {  	_ = 	snop  }
0x32: {  	[tilespmem:s15], [sflag:$0x3] =	stream.indirect.gather [hbm4b:s3+s10], $0x40, s14, s10, $0xb8;
	[tilespmem:$0x1C000] =	vst v63  }
0x33: {  	_ =	swait.ge [sflag:s16], $0x8000  }
0x34: {  	[sflag:s16] =	ssyncset.done $0x0  }
0x35: {  	[sflag:s16] =	ssyncadd.s32 $0xFFFF8000  }
0x36: {  	[tilespmem:$0xC000] =	vst v0  }
0x37: {  	[tilespmem:$0xC010] =	vst v0  }
0x38: {  	[tilespmem:$0xC020] =	vst v0  }
0x39: {  	[tilespmem:$0xC030] =	vst v0  }
0x3a: {  	[tilespmem:$0xC040] =	vst v0  }
0x3b: {  	[tilespmem:$0xC050] =	vst v0  }
0x3c: {  	[tilespmem:$0xC060] =	vst v0  }
0x3d: {  	[tilespmem:$0xC070] =	vst v0  }
0x3e: {  	[tilespmem:$0xC080] =	vst v0  }
0x3f: {  	[tilespmem:$0xC090] =	vst v0  }
0x40: {  	[tilespmem:$0xC0A0] =	vst v0  }
0x41: {  	[tilespmem:$0xC0B0] =	vst v0  }
0x42: {  	[hbm4b:s6+s2] =	stream.linear.scatter [tilespmem:s12], [sflag:$0x5], $0x8000, $0x38;
	[tilespmem:$0x1C000] =	vst v63  }
0x43: {  	_ =	swait.ge [sflag:s17], $0x8000  }
0x44: {  	[sflag:s17] =	ssyncset.done $0x0  }
0x45: {  	s23 =	smov.u32 s8;
	s24 =	simm.s32 $0x0;
	[sflag:s17] =	ssyncadd.s32 $0xFFFF8000  }
0x46: {  	[tilespmem:s11], [sflag:$0x1] =	stream.indirect.gather [hbm4b:s3+s10], $0x40, s18, s10, $0xb8;
	[tilespmem:$0x1C000] =	vst v63  }
.LBB2_2:
0x47: {  	_ =	swait.ge [sflag:s19], $0x8000  }
0x48: {  	[sflag:s19] =	ssyncset.done $0x0  }
0x49: {  	[sflag:s19] =	ssyncadd.s32 $0xFFFF8000  }
0x4a: {  	[tilespmem:$0x14000] =	vst v0  }
0x4b: {  	[tilespmem:$0x14010] =	vst v0  }
0x4c: {  	[tilespmem:$0x14020] =	vst v0  }
0x4d: {  	[tilespmem:$0x14030] =	vst v0  }
0x4e: {  	[tilespmem:$0x14040] =	vst v0  }
0x4f: {  	[tilespmem:$0x14050] =	vst v0  }
0x50: {  	[tilespmem:$0x14060] =	vst v0  }
0x51: {  	[tilespmem:$0x14070] =	vst v0  }
0x52: {  	[tilespmem:$0x14080] =	vst v0  }
0x53: {  	[tilespmem:$0x14090] =	vst v0  }
0x54: {  	[tilespmem:$0x140A0] =	vst v0  }
0x55: {  	[tilespmem:$0x140B0] =	vst v0  }
0x56: {  	[hbm4b:s23+s2] =	stream.linear.scatter [tilespmem:s15], [sflag:$0x6], $0x8000, $0x38;
	[tilespmem:$0x1C000] =	vst v63  }
0x57: {  	_ =	swait.ge [sflag:s20], $0x8000  }
0x58: {  	s25 =	sshra.s32 s24, $0x2;
	[sflag:s20] =	ssyncset.done $0x0  }
0x59: {  	s26 =	sadd.s32 $0x800, s25;
	[sflag:s20] =	ssyncadd.s32 $0xFFFF8000  }
0x5a: {  	[tilespmem:s12], [sflag:$0x2] =	stream.indirect.gather [hbm4b:s3+s10], $0x40, s26, s10, $0xb8;
	[tilespmem:$0x1C000] =	vst v63  }
0x5b: {  	_ =	swait.ge [sflag:s13], $0x8000  }
0x5c: {  	[sflag:s13] =	ssyncset.done $0x0  }
0x5d: {  	[sflag:s13] =	ssyncadd.s32 $0xFFFF8000  }
0x5e: {  	[tilespmem:$0x4000] =	vst v0  }
0x5f: {  	[tilespmem:$0x4010] =	vst v0  }
0x60: {  	[tilespmem:$0x4020] =	vst v0  }
0x61: {  	[tilespmem:$0x4030] =	vst v0  }
0x62: {  	[tilespmem:$0x4040] =	vst v0  }
0x63: {  	[tilespmem:$0x4050] =	vst v0  }
0x64: {  	[tilespmem:$0x4060] =	vst v0  }
0x65: {  	[tilespmem:$0x4070] =	vst v0  }
0x66: {  	[tilespmem:$0x4080] =	vst v0  }
0x67: {  	[tilespmem:$0x4090] =	vst v0  }
0x68: {  	p0 =	seq.s32 s24, $0xD800;
	[tilespmem:$0x40A0] =	vst v0  }
0x69: {  	s30 =	sadd.s32 $0x1000, s23;
	s26 =	simm.s32 @!p0 $0x6;
	[tilespmem:$0x40B0] =	vst v0  }
0x6a: {  	[hbm4b:s30+s2] =	stream.linear.scatter [tilespmem:s11], [sflag:$0x4], $0x8000, $0x38;
	[tilespmem:$0x1C000] =	vst v63  }
0x6b: {  	_ =	swait.ge @!p0 [sflag:s26], $0x8000  }
0x6c: {  	[sflag:s26] =	ssyncset.done @!p0 $0x0  }
0x6d: {  	[sflag:s26] =	ssyncadd.s32 @!p0 $0xFFFF8000;
	s26 =	sshra.s32 @!p0 s24, $0x2  }
0x6e: {  	s28 =	simm.s32 @!p0 $0x200;
	s29 =	simm.s32 @!p0 $0x14000;
	s26 =	sadd.s32 @!p0 $0xA00, s26  }
0x6f: {  	[tilespmem:s29], [sflag:$0x3] =	stream.indirect.gather @!p0 [hbm4b:s3+s28], $0x40, s26, s28, $0xb8;
	[tilespmem:$0x1C000] =	vst v63  }
0x70: {  	_ =	swait.ge [sflag:s16], $0x8000  }
0x71: {  	[sflag:s16] =	ssyncset.done $0x0  }
0x72: {  	[sflag:s16] =	ssyncadd.s32 $0xFFFF8000  }
0x73: {  	[tilespmem:$0xC000] =	vst v0  }
0x74: {  	[tilespmem:$0xC010] =	vst v0  }
0x75: {  	[tilespmem:$0xC020] =	vst v0  }
0x76: {  	[tilespmem:$0xC030] =	vst v0  }
0x77: {  	[tilespmem:$0xC040] =	vst v0  }
0x78: {  	[tilespmem:$0xC050] =	vst v0  }
0x79: {  	[tilespmem:$0xC060] =	vst v0  }
0x7a: {  	[tilespmem:$0xC070] =	vst v0  }
.Ltmp2:
0x7b: {  	[tilespmem:$0xC080] =	vst v0;
	(pc) =	sbr.rel @p0 .LBB2_4-.Ltmp2, $4  }
0x7c: {  	[tilespmem:$0xC090] =	vst v0  }
0x7d: {  	[tilespmem:$0xC0A0] =	vst v0  }
0x7e: {  	s31 =	sadd.s32 $0x2000, s23;
	[tilespmem:$0xC0B0] =	vst v0  }
0x7f: {  	[hbm4b:s31+s2] =	stream.linear.scatter [tilespmem:s12], [sflag:$0x5], $0x8000, $0x38;
	[tilespmem:$0x1C000] =	vst v63  }
.Ltmp3:
0x80: {  	(pc) =	sbr.rel .LBB2_2-.Ltmp3, $4  }
0x81: {  	_ =	swait.ge [sflag:s17], $0x8000  }
0x82: {  	s25 =	sadd.s32 $0xC00, s25;
	[sflag:s17] =	ssyncset.done $0x0  }
0x83: {  	s24 =	sadd.s32 $0x1800, s24;
	s23 =	sadd.s32 $0x3000, s23;
	[sflag:s17] =	ssyncadd.s32 $0xFFFF8000  }
0x84: {  	[tilespmem:s11], [sflag:$0x1] =	stream.indirect.gather [hbm4b:s3+s10], $0x40, s25, s10, $0xb8;
	[tilespmem:$0x1C000] =	vst v63  }
.LBB2_5:
0x85: {  	_ =	sfence.sel $0x180000  }
0x86: {  	[bflag:$0x0] =	sbarrier.arrive $0xFFFF  }
0x87: {  	p0 =	sne.s32 s1, $0x0;
	_ =	strace $0x90000047  }
0x88: {  	s0 =	sadd.s32 @!p0 $0x100000, s0;
	[bflag:$0x2] =	sbarrier.arrive $0xFFFF  }
0x89: {  	[sflag:s0] =	ssyncadd.tile.s32 @!p0 $0x1;
	_ =	shalt  }
.Lfunc_end2:
_tile_overlayer_lowered:
.L_overlay_start_2:
0x8a: {  	(tag) =	ssettag $0x2  }
0x8b: {  	s0 =	rddreg [dreg:$0x0];
	s2 =	stileid.u32  }
0x8c: {  	s1 =	rddreg [dreg:$0x1];
	p0 =	sne.s32 s2, $0x0  }
0x8d: {  	s3 =	rddreg [dreg:$0x2];
	[bflag:$0x3] =	sbarrier.arrive $0xFFFF;
	s2 =	simm.s32 @!p0 $0x1C07  }
0x8e: {  	[timem:s3], [sflag:s2] =	dma.local @!p0 [hbm:s0], s1  }
0x8f: {  	s0 =	simm.s32 @!p0 $0x7  }
0x90: {  	_ =	swait.ge @!p0 [sflag:s0], s1  }
0x91: {  	s1 =	ssub.s32 @!p0 $0x0, s1;
	[sflag:s0] =	ssyncset.done @!p0 $0x0  }
0x92: {  	[sflag:s0] =	ssyncadd.s32 @!p0 s1  }
0x93: {  	[bflag:$0x3] =	sbarrier.arrive $0xFFFF  }
0x94: {  	_ =	shalt  }

// kernel: sparse-core-data-format-call.cloned.1.call-start
scs
called_computation_lowered:
.L_overlay_start_0:
0x0: {  	s2 =	sld [smem:$0x3FD9]  }
0x1: {  	s3 =	sld [smem:$0x3FFE];
	_ =	sdelay $0x1  }
0x2: {  	s1 =	srdreg.scid  }
0x3: {  	s0 =	sand.u32 $0x1, s1  }
0x4: {  	s18 =	sshll.u32 s0, $0xA;
	s2 =	sadd.s32 s3, s2  }
0x5: {  	s2 =	sadd.s32 s2, s18  }
0x6: {  	[smem:$0x3FC6] =	sst s2  }
0x7: {  	_ = 	snop  }
0x8: {  	s2 =	sld [smem:$0x3FD0];
	(tm) =	ssettm $0x1  }
0x9: {  	s19 =	sld [smem:$0x3FFB];
	_ =	sdelay $0x3  }
0xa: {  	_ =	strace s19  }
0xb: {  	s3 =	sld [smem:$0x3FFC];
	_ =	sdelay $0x3  }
0xc: {  	_ =	strace s3  }
0xd: {  	s3 =	sld [smem:$0x3FFD];
	_ =	sdelay $0x3  }
0xe: {  	_ =	strace s3  }
0xf: {  	_ =	strace $0x8FFFFFFF  }
0x10: {  	s20 =	sld [smem:$0x3FDB];
	_ =	sdelay $0x1  }
0x11: {  	s4 =	simm.s32 $_scs_section_size  }
0x12: {  	s5 =	simm.s32 $_size__tile_overlayer_lowered;
	s6 =	simm.s32 $_tile_overlayer_lowered  }
0x13: {  	s23 =	simm.s32 $0x1BFF;
	s22 =	sshll.u32 s6, $0x1;
	s3 =	sadd.s32 s4, s20  }
0x14: {  	s7 =	simm.s32 $0x0;
	s21 =	sshll.u32 s5, $0x1;
	s5 =	sadd.s32 s22, s3  }
0x15: {  	[timem:s7], [sflag:s23] =	dma.local [hbm:s5], s21  }
0x16: {  	_ =	swait.ge [sflag:s23], s21  }
0x17: {  	s4 =	ssub.s32 $0x0, s21;
	[sflag:s23] =	ssyncset.done $0x0  }
0x18: {  	[sflag:s23] =	ssyncadd.s32 s4;
	_ =	sdelay $0x1  }
0x19: {  	s24 =	simm.s32 $0x1B8B  }
0x1a: {  	_ =	swait.ge [sflag:s24], $0x1  }
0x1b: {  	[sflag:s24] =	ssyncset.done $0x0  }
0x1c: {  	s26 =	simm.s32 $0x1B8E;
	s25 =	sld [smem:$0x3FFE];
	[sflag:s24] =	ssyncadd.s32 $0xFFFFFFFF  }
0x1d: {  	s27 =	simm.s32 $execute0_lowered;
	[smem:$0x3FD2] =	sst s26  }
0x1e: {  	s5 =	sshll.u32 s27, $0x1;
	_ =	strace $0x80000049;
	[dreg:$0x1] =	wrdreg $0xFFFFFFFF  }
0x1f: {  	s28 =	simm.s32 $_size_execute0_lowered;
	s3 =	sadd.s32 s3, s5;
	[dreg:$0x0] =	wrdreg $0x0  }
0x20: {  	s5 =	sshll.u32 s28, $0x1;
	[dreg:$0x2] =	wrdreg s3  }
0x21: {  	[dreg:$0x3] =	wrdreg s5  }
0x22: {  	[dreg:$0x4] =	wrdreg $0xC0  }
0x23: {  	_ =	task [dreg:s7], $0x5FFFF  }
0x24: {  	[dreg:$0x1] =	wrdreg $0xFFFFFFFF  }
0x25: {  	[dreg:$0x0] =	wrdreg $0x60  }
0x26: {  	[dreg:$0x2] =	wrdreg s25  }
0x27: {  	[dreg:$0x3] =	wrdreg s2  }
0x28: {  	[dreg:$0x4] =	wrdreg $0x9  }
0x29: {  	_ =	task.clear_ibuf [dreg:s7], $0x5FFFF;
	_ =	strace $0x90000049  }
0x2a: {  	s29 =	simm.s32 $0x9;
	_ =	strace $0x8000004B  }
0x2b: {  	_ =	swait.ge [sflag:s29], $0x1  }
0x2c: {  	[sflag:s29] =	ssyncadd.s32 $0xFFFFFFFF  }
0x2d: {  	_ =	strace $0x9000004B  }
0x2e: {  	_ =	sfence  }
0x2f: {  	s30 =	sld [smem:$0x0];
	_ =	sdelay $0x2  }
0x30: {  	s31 =	sshll.u32 s1, $0xD;
	s1 =	sshrl.u32 s1, $0x2  }
0x31: {  	s3 =	sand.u32 $0x4000, s31;
	s1 =	sadd.s32 s1, s30  }
0x32: {  	s0 =	sor.u32 s3, s0;
	s1 =	sshll.u32 s1, $0x11  }
0x33: {  	s0 =	sor.u32 s1, s0  }
0x34: {  	s0 =	sadd.s32 $0x8F2B, s0  }
0x35: {  	[sflag:s0] =	ssyncadd.remote.s32 $0x1  }
0x36: {  	_ =	sfence.sel $0xFFFF  }
0x37: {  	[dreg:$0x0] =	wrdreg $0xFFFFFFFF;
	(pc) =	sbr.abs _section_cstart, $3  }
0x38: {  	[dreg:$0x1] =	wrdreg $0xFFFFFFFF  }
0x39: {  	_ =	task.clear_ibuf [dreg:s7], $0x2FFFF;
	_ =	strace $0x9FFFFFFF  }
0x3a: {  	(tm) =	ssettm $0x7FFFFFFF  }
0x3b: {  	_ =	shalt  }
tec
execute0_lowered:
.L_overlay_start_1:
0x0: {  	(tag) =	ssettag $0x1  }
0x1: {  	s0 =	srdreg.scid  }
0x2: {  	s7 =	rddreg [dreg:$0x0];
	s1 =	sshll.u32 s0, $0x4  }
0x3: {  	s3 =	rddreg [dreg:$0x1];
	s0 =	stileid.u32;
	s1 =	sand.u32 $0x10, s1  }
0x4: {  	s6 =	simm.s32 $0x1;
	s31 =	simm.s32 $0x2;
	s1 =	sor.u32 s0, s1  }
0x5: {  	s13 =	simm.s32 $0x0;
	s9 =	simm.s32 $0x1000;
	s2 =	sshll.u32 s1, $0x1  }
0x6: {  	s14 =	simm.s32 $0x0;
	s10 =	simm.s32 $0x0;
	s4 =	ssub.s32 $0x400, s2  }
0x7: {  	s12 =	simm.s32 $0x0;
	s1 =	rddreg [dreg:$0x2];
	s5 =	sand.u32 $0x3E, s4  }
.Ltmp0:
0x8: {  	_ =	strace $0x8000004A;
	p0 =	sne.s32 s5, $0x0;
	(pc) =	sbr.rel .LBB1_1-.Ltmp0, $4  }
0x9: {  	s11 =	smov.u32 s2;
	s8 =	sshrl.u32 s4, $0x6;
	s6 =	simm.s32 @!p0 $0x0  }
0xa: {  	s4 =	sadd.s32 $0x800, s7;
	s5 =	simm.s32 $0x1;
	s6 =	sadd.s32 s6, s8  }
0xb: {  	s7 =	sadd.s32 $0x2800, s7;
	[sflag:s5] =	ssyncpa.u1 $0x0;
	s6 =	sshll.u32 s6, $0x2  }
0xc: {  	p0 =	por $0x0, $0x0;
	[sflag:s31] =	ssyncpa.u1 $0x0;
	s8 =	sor.u32 $0x1, s6  }
.LBB1_7:
0xd: {  	s15 =	sadd.s32 $0x80, s10  }
0xe: {  	s13 =	sadd.s32 $0x40, s11;
	s17 =	smov.u32 s11;
	p2 =	sgt.s32 s15, $0x1FF  }
0xf: {  	s17 =	smov.u32 @p2 s13  }
0x10: {  	s15 =	simm.s32 @p2 $0x0;
	p2 =	sgt.s32 s17, $0x3FF  }
0x11: {  	s17 =	smov.u32 @p2 s2;
	p2 =	sne.s32 s12, s8  }
.Ltmp1:
0x12: {  	p1 =	slt.u32 s12, $0x2;
	(pc) =	sbr.rel @!p2 .LBB1_8-.Ltmp1, $4  }
0x13: {  	s16 =	simm.s32 @!p1 $0x2  }
0x14: {  	s14 =	smov.u32 s11;
	p0 =	por !p0, !p0;
	_ =	swait.ge @!p1 [sflag:s16], $0x4000  }
0x15: {  	s13 =	smov.u32 s10;
	[sflag:s16] =	ssyncset.done @!p1 $0x0;
	s10 =	smov.u32 s15  }
0x16: {  	s12 =	sadd.s32 $0x1, s12;
	[sflag:s16] =	ssyncadd.s32 @!p1 $0xFFFFC000;
	s11 =	smov.u32 s17  }
.LBB1_1:
0x17: {  	p1 =	sge.u32 s12, s6  }
0x18: {  	s15 =	sxor.u32 @!p1 $0xFFFFFFFF, s12;
	s16 =	sshll.u32 @!p1 s11, $0xD  }
0x19: {  	s17 =	sshll.u32 @!p1 s10, $0x4;
	s19 =	simm.s32 @!p1 $0x40;
	s20 =	simm.s32 @!p1 $0x80  }
0x1a: {  	s15 =	sshll.u32 @!p1 s15, $0xE;
	s17 =	sand.u32 @!p1 $0x1FF0, s17;
	s18 =	sadd.s32 @!p1 s4, s16  }
0x1b: {  	s16 =	sadd.s32 @!p1 s16, s7;
	s15 =	sand.u32 @!p1 $0x4000, s15;
	s18 =	sadd.s32 @!p1 s17, s18  }
0x1c: {  	[tilespmem:s15], [sflag:$0x1] =	stream.strided.gather @!p1 [hbm4b:s18+s19], $0x2000, s20, s19, $0x38;
	[tilespmem:$0x10100] =	vst v63  }
0x1d: {  	s31 =	sadd.s32 $0xFFFFFFFF, s12;
	s16 =	sadd.s32 @!p1 s17, s16;
	s15 =	sor.u32 @!p1 $0x2000, s15  }
0x1e: {  	[tilespmem:s15], [sflag:$0x1] =	stream.strided.gather @!p1 [hbm4b:s16+s19], $0x2000, s20, s19, $0x38;
	[tilespmem:$0x10100] =	vst v63  }
0x1f: {  	p1 =	sge.u32 s31, s6  }
.Ltmp2:
0x20: {  	_ = 	snop;
	(pc) =	sbr.rel @p1 .LBB1_7-.Ltmp2, $1  }
0x21: {  	_ =	sdelay $0x3  }
0x22: {  	s15 =	simm.s32 $0x1;
	s17 =	sand.u32 $0x1, s12  }
0x23: {  	_ =	swait.ge [sflag:s5], $0x4000;
	s15 =	simm.s32 @!p0 $0x0;
	s17 =	smul.u32 $0x10200, s17  }
0x24: {  	p2 =	por $0x1, $0x1;
	[sflag:s5] =	ssyncset.done $0x0;
	s16 =	smul.u32 $0x10200, s15  }
0x25: {  	s18 =	sshll.u32 s15, $0x10;
	[sflag:s5] =	ssyncadd.s32 $0xFFFFC000;
	s30 =	sshrl.u32 s17, $0x2  }
0x26: {  	s31 =	sshrl.u32 s18, $0x2;
	s18 =	simm.s32 $0x0;
	s16 =	sshrl.u32 s16, $0x2  }
0x27: {  	s15 =	sor.u32 $0x8000, s30;
	s17 =	sadd.s32 $0x20, s31;
	s16 =	sor.u32 $0x8000, s16  }
.LBB1_3:
0x28: {  	s19 =	sshll.u32 s18, $0xD  }
0x29: {  	s19 =	sand.u32 $0x3FFFE000, s19  }
0x2a: {  	s21 =	sadd.s32 s19, s17  }
0x2b: {  	s31 =	smul.u32 $0x8100, s18;
	v3 =	vld [tilespmem:s21+$0x10]  }
0x2c: {  	v1 =	vld [tilespmem:s21+$0xFFFFFFF0]  }
0x2d: {  	s18 =	sshra.s32 s31, $0x2;
	v0 =	vld [tilespmem:s21+$0x0]  }
0x2e: {  	s18 =	sadd.s32 s18, s16;
	v2 =	vld [tilespmem:s21+$0xFFFFFFE0]  }
0x2f: {  	s19 =	sadd.s32 $0x0, s18  }
0x30: {  	p1 =	por p2, p2;
	s20 =	simm.s32 $0x4;
	s21 =	sadd.s32 $0x40, s21;
	[tilespmem:s19+$0x1830 ss:$0x81] =	vst.msk $0xffff, v3  }
.LBB1_4:
0x31: {  	v3 =	vld [tilespmem:s21+$0x10];
	p2 =	sne.s32 s20, $0x1FC;
	[tilespmem:s19+$0x810 ss:$0x81] =	vst.msk $0xffff, v1;
	s22 =	smov.u32 s20;
	s20 =	sadd.s32 $0x4, s20  }
.Ltmp3:
0x32: {  	v1 =	vld [tilespmem:s21+$0xFFFFFFF0];
	[tilespmem:s19+$0x1020 ss:$0x81] =	vst.msk $0xffff, v0;
	(pc) =	sbr.rel @p2 .LBB1_4-.Ltmp3, $4  }
0x33: {  	v0 =	vld [tilespmem:s21+$0x0];
	[tilespmem:s19+$0x0 ss:$0x81] =	vst.msk $0xffff, v2  }
0x34: {  	s19 =	sshra.s32 s22, $0x2;
	v2 =	vld [tilespmem:s21+$0xFFFFFFE0]  }
0x35: {  	s19 =	sadd.s32 s19, s18  }
0x36: {  	s21 =	sadd.s32 $0x40, s21;
	[tilespmem:s19+$0x1830 ss:$0x81] =	vst.msk $0xffff, v3  }
.Ltmp4:
0x37: {  	(pc) =	sbr.rel @p1 .LBB1_3-.Ltmp4, $4  }
0x38: {  	_ = 	snop  }
0x39: {  	[tilespmem:s19+$0x810 ss:$0x81] =	vst.msk $0xffff, v1  }
0x3a: {  	[tilespmem:s19+$0x1020 ss:$0x81] =	vst.msk $0xffff, v0  }
0x3b: {  	s18 =	simm.s32 $0x1;
	p2 =	por $0x0, $0x0;
	[tilespmem:s19+$0x0 ss:$0x81] =	vst.msk $0xffff, v2  }
.Ltmp5:
0x3c: {  	s16 =	sand.u32 $0xF80, s13;
	s14 =	sshll.u32 s14, $0xC;
	(pc) =	sbr.rel .LBB1_7-.Ltmp5, $4  }
0x3d: {  	s17 =	sshrl.u32 s13, $0x3;
	s31 =	sand.u32 $0x7, s13;
	s14 =	sadd.s32 s3, s14  }
0x3e: {  	s17 =	sand.u32 $0xF, s17;
	s13 =	sshll.u32 s31, $0x12;
	s14 =	sadd.s32 s16, s14  }
0x3f: {  	s13 =	sor.u32 $0x400, s13;
	s14 =	sadd.s32 s17, s14  }
0x40: {  	[hbm4b:s14+s13] =	stream.strided.scatter [tilespmem:s15], [sflag:$0x2], $0x4000, s9, s13, $0x20;
	[tilespmem:$0x10100] =	vst v63  }
.LBB1_8:
0x41: {  	_ =	sfence.sel $0x180000  }
0x42: {  	s2 =	simm.s32 $0x1;
	[bflag:$0x0] =	sbarrier.arrive $0xFFFF  }
0x43: {  	s31 =	simm.s32 $0x2;
	[sflag:s2] =	ssyncpa.u1 $0x1  }
0x44: {  	[sflag:s31] =	ssyncpa.u1 $0x1  }
0x45: {  	p0 =	sne.s32 s0, $0x0;
	_ =	strace $0x9000004A  }
0x46: {  	s0 =	sadd.s32 @!p0 $0x100000, s1;
	[bflag:$0x2] =	sbarrier.arrive $0xFFFF  }
0x47: {  	[sflag:s0] =	ssyncadd.tile.s32 @!p0 $0x1;
	_ =	shalt  }
.Lfunc_end1:
_tile_overlayer_lowered:
.L_overlay_start_2:
0x48: {  	(tag) =	ssettag $0x2  }
0x49: {  	s0 =	rddreg [dreg:$0x0];
	s2 =	stileid.u32  }
0x4a: {  	s1 =	rddreg [dreg:$0x1];
	p0 =	sne.s32 s2, $0x0  }
0x4b: {  	s3 =	rddreg [dreg:$0x2];
	[bflag:$0x3] =	sbarrier.arrive $0xFFFF;
	s2 =	simm.s32 @!p0 $0x1C01  }
0x4c: {  	[timem:s3], [sflag:s2] =	dma.local @!p0 [hbm:s0], s1  }
0x4d: {  	s0 =	simm.s32 @!p0 $0x1  }
0x4e: {  	_ =	swait.ge @!p0 [sflag:s0], s1  }
0x4f: {  	s1 =	ssub.s32 @!p0 $0x0, s1;
	[sflag:s0] =	ssyncset.done @!p0 $0x0  }
0x50: {  	[sflag:s0] =	ssyncadd.s32 @!p0 s1  }
0x51: {  	[bflag:$0x3] =	sbarrier.arrive $0xFFFF  }
0x52: {  	_ =	shalt  }

</sc_bundles>
